<compile_context>
chip_gen: v7x
topology: tpu7x:2x2x1
jax: 0.10.2.dev20260603
libtpu: 0.0.44.dev20260713+nightly
codegen_flags: <defaults>
</compile_context>

<pallas_src>
import functools

import jax
import jax.numpy as jnp
from jax import lax
from jax.experimental import pallas as pl
from jax.experimental.pallas import tpu as pltpu
from jax.experimental.pallas import tpu_sc as plsc

_M, _N = 16384, 2048
_LANES = 16
_NC, _NS = 2, 16
_NW = _NC * _NS
_ROWS_PER_W = _M // _NW
_BR = 2
_NBLK = _ROWS_PER_W // _BR
_RING = 8

_mesh = plsc.VectorSubcoreMesh(core_axis_name="c", subcore_axis_name="s")


def _copy_kept(in_b, out_b):
    kmask = jnp.where(lax.iota(jnp.int32, _LANES) == 0,
                      jnp.float32(1), jnp.float32(0))
    for r in range(_BR):
        @plsc.parallel_loop(0, _N // _LANES, unroll=8)
        def _mm(j):
            off = pl.multiple_of(j * _LANES, _LANES)
            out_b[r, pl.ds(off, _LANES)] = in_b[r, pl.ds(off, _LANES)] * kmask


@functools.partial(
    pl.kernel,
    out_type=jax.ShapeDtypeStruct((_M, _N), jnp.float32),
    mesh=_mesh,
    compiler_params=pltpu.CompilerParams(
        needs_layout_passes=False,
        disable_bounds_checks=True,
        disable_semaphore_checks=True,
    ),
    scratch_types=(
        [pltpu.VMEM((_BR, _N), jnp.float32)] * (2 * _RING)
        + [pltpu.SemaphoreType.DMA] * (2 * _RING)
    ),
)
def _sc_sampler(x_hbm, o_hbm, *bufs):
    ins = bufs[:_RING]
    outs = bufs[_RING:2 * _RING]
    sis = bufs[2 * _RING:3 * _RING]
    sos = bufs[3 * _RING:4 * _RING]

    wid = lax.axis_index("s") * _NC + lax.axis_index("c")
    row_base = wid * _ROWS_PER_W

    def rows_at(blk):
        return pl.ds(pl.multiple_of(row_base + blk * _BR, _BR), _BR)

    for p in range(_RING):
        pltpu.async_copy(x_hbm.at[rows_at(p)], ins[p], sis[p])

    @pl.loop(0, _NBLK, step=_RING)
    def _block(blk):
        for p in range(_RING):
            cur = blk + p
            in_b, out_b, si, so = ins[p], outs[p], sis[p], sos[p]

            pltpu.make_async_copy(x_hbm.at[rows_at(cur)], in_b, si).wait()

            @pl.when(cur >= _RING)
            def _():
                pltpu.make_async_copy(out_b, o_hbm.at[rows_at(cur - _RING)],
                                      so).wait()

            _copy_kept(in_b, out_b)
            pltpu.async_copy(out_b, o_hbm.at[rows_at(cur)], so)

            @pl.when(cur + _RING < _NBLK)
            def _():
                pltpu.async_copy(x_hbm.at[rows_at(cur + _RING)], in_b, si)

    for p in range(_RING):
        pltpu.make_async_copy(outs[p], o_hbm.at[rows_at(_NBLK - _RING + p)],
                              sos[p]).wait()


def kernel(x):
    return _sc_sampler(x)

# --- scband reference (transcript-rebuilt; emitter-appended) ---
"""Pipeline reference for scband-index-sampler-6305011990709 (READ-ONLY COPY).

The authoritative reference and input builder live on the scoring server;
editing this copy changes nothing except your own understanding.
"""

import jax, jax.numpy as jnp
import numpy as np

IDXS = jnp.asarray(np.arange(0, 2048, 16), dtype=jnp.int32)  # 128 column indices from init_kwargs


def setup_inputs(seed: int = 0) -> dict:
    key = jax.random.key(seed)
    x = jax.random.normal(key, (16384, 2048), dtype=jnp.float32)
    return {"x": x}


def reference(x):
    # torch: subsample = zeros_like(x); for i in idxs: subsample[:, i] = x[:, i]
    # jax: gather the selected columns and scatter-overwrite them into a zero buffer
    subsample = jnp.zeros_like(x)
    subsample = subsample.at[:, IDXS].set(x[:, IDXS])
    return subsample

if __name__ == "__main__":
    import jax
    _d = setup_inputs()
    print(jax.jit(kernel)(*tuple(_d.values())))

</pallas_src>

<mosaic_0001>
#map = affine_map<(d0, d1) -> (0, 0)>
module attributes {stable_mosaic.version = 14 : i64} {
  func.func @_sc_sampler(%arg0: i32, %arg1: i32, %arg2: memref<16384x2048xf32, #tpu.memory_space<hbm>>, %arg3: memref<16384x2048xf32, #tpu.memory_space<hbm>>, %arg4: memref<2x2048xf32, #tpu.memory_space<vmem>>, %arg5: memref<2x2048xf32, #tpu.memory_space<vmem>>, %arg6: memref<2x2048xf32, #tpu.memory_space<vmem>>, %arg7: memref<2x2048xf32, #tpu.memory_space<vmem>>, %arg8: memref<2x2048xf32, #tpu.memory_space<vmem>>, %arg9: memref<2x2048xf32, #tpu.memory_space<vmem>>, %arg10: memref<2x2048xf32, #tpu.memory_space<vmem>>, %arg11: memref<2x2048xf32, #tpu.memory_space<vmem>>, %arg12: memref<2x2048xf32, #tpu.memory_space<vmem>>, %arg13: memref<2x2048xf32, #tpu.memory_space<vmem>>, %arg14: memref<2x2048xf32, #tpu.memory_space<vmem>>, %arg15: memref<2x2048xf32, #tpu.memory_space<vmem>>, %arg16: memref<2x2048xf32, #tpu.memory_space<vmem>>, %arg17: memref<2x2048xf32, #tpu.memory_space<vmem>>, %arg18: memref<2x2048xf32, #tpu.memory_space<vmem>>, %arg19: memref<2x2048xf32, #tpu.memory_space<vmem>>, %arg20: memref<!tpu.dma_semaphore, #tpu.memory_space<semaphore_mem>>, %arg21: memref<!tpu.dma_semaphore, #tpu.memory_space<semaphore_mem>>, %arg22: memref<!tpu.dma_semaphore, #tpu.memory_space<semaphore_mem>>, %arg23: memref<!tpu.dma_semaphore, #tpu.memory_space<semaphore_mem>>, %arg24: memref<!tpu.dma_semaphore, #tpu.memory_space<semaphore_mem>>, %arg25: memref<!tpu.dma_semaphore, #tpu.memory_space<semaphore_mem>>, %arg26: memref<!tpu.dma_semaphore, #tpu.memory_space<semaphore_mem>>, %arg27: memref<!tpu.dma_semaphore, #tpu.memory_space<semaphore_mem>>, %arg28: memref<!tpu.dma_semaphore, #tpu.memory_space<semaphore_mem>>, %arg29: memref<!tpu.dma_semaphore, #tpu.memory_space<semaphore_mem>>, %arg30: memref<!tpu.dma_semaphore, #tpu.memory_space<semaphore_mem>>, %arg31: memref<!tpu.dma_semaphore, #tpu.memory_space<semaphore_mem>>, %arg32: memref<!tpu.dma_semaphore, #tpu.memory_space<semaphore_mem>>, %arg33: memref<!tpu.dma_semaphore, #tpu.memory_space<semaphore_mem>>, %arg34: memref<!tpu.dma_semaphore, #tpu.memory_space<semaphore_mem>>, %arg35: memref<!tpu.dma_semaphore, #tpu.memory_space<semaphore_mem>>) attributes {dimension_semantics = [#tpu.dimension_semantics<core_parallel>, #tpu.dimension_semantics<subcore_parallel>], iteration_bounds = array<i64: 2, 16>, scalar_prefetch = 0 : i64, scratch_operands = 32 : i64, tpu.core_type = #tpu.core_type<sc_vector_subcore>, window_params = [{transform_indices = #map}, {transform_indices = #map}]} {
    %mul3A = arith.constant 2 : i32
    %mul3A_0 = arith.muli %arg1, %mul3A : i32
    %add3A = arith.addi %mul3A_0, %arg0 : i32
    %mul3A_1 = arith.constant 512 : i32
    %mul3A_2 = arith.muli %add3A, %mul3A_1 : i32
    %add3A_3 = arith.constant 0 : i32
    %add3A_4 = arith.addi %mul3A_2, %add3A_3 : i32
    %multiple_of3A = tpu.assume_multiple %add3A_4, 2 : i32
    %dma_start3A = arith.constant 0 : i32
    %dma_start3A_5 = tpu.memref_slice %arg2[%multiple_of3A, %dma_start3A] : memref<16384x2048xf32, #tpu.memory_space<hbm>> -> memref<2x2048xf32, #tpu.memory_space<hbm>>
    %dma_start3A_6 = arith.constant 0 : i32
    %dma_start3A_7 = tpu.memref_slice %arg2[%multiple_of3A, %dma_start3A_6] : memref<16384x2048xf32, #tpu.memory_space<hbm>> -> memref<2x2048xf32, #tpu.memory_space<hbm>>
    tpu.enqueue_dma source(%dma_start3A_7 : memref<2x2048xf32, #tpu.memory_space<hbm>>) target(%arg4 : memref<2x2048xf32, #tpu.memory_space<vmem>>) target_semaphore(%arg20 : memref<!tpu.dma_semaphore, #tpu.memory_space<semaphore_mem>>)
    %add3A_8 = arith.constant 2 : i32
    %add3A_9 = arith.addi %mul3A_2, %add3A_8 : i32
    %multiple_of3A_10 = tpu.assume_multiple %add3A_9, 2 : i32
    %dma_start3A_11 = arith.constant 0 : i32
    %dma_start3A_12 = tpu.memref_slice %arg2[%multiple_of3A_10, %dma_start3A_11] : memref<16384x2048xf32, #tpu.memory_space<hbm>> -> memref<2x2048xf32, #tpu.memory_space<hbm>>
    %dma_start3A_13 = arith.constant 0 : i32
    %dma_start3A_14 = tpu.memref_slice %arg2[%multiple_of3A_10, %dma_start3A_13] : memref<16384x2048xf32, #tpu.memory_space<hbm>> -> memref<2x2048xf32, #tpu.memory_space<hbm>>
    tpu.enqueue_dma source(%dma_start3A_14 : memref<2x2048xf32, #tpu.memory_space<hbm>>) target(%arg5 : memref<2x2048xf32, #tpu.memory_space<vmem>>) target_semaphore(%arg21 : memref<!tpu.dma_semaphore, #tpu.memory_space<semaphore_mem>>)
    %add3A_15 = arith.constant 4 : i32
    %add3A_16 = arith.addi %mul3A_2, %add3A_15 : i32
    %multiple_of3A_17 = tpu.assume_multiple %add3A_16, 2 : i32
    %dma_start3A_18 = arith.constant 0 : i32
    %dma_start3A_19 = tpu.memref_slice %arg2[%multiple_of3A_17, %dma_start3A_18] : memref<16384x2048xf32, #tpu.memory_space<hbm>> -> memref<2x2048xf32, #tpu.memory_space<hbm>>
    %dma_start3A_20 = arith.constant 0 : i32
    %dma_start3A_21 = tpu.memref_slice %arg2[%multiple_of3A_17, %dma_start3A_20] : memref<16384x2048xf32, #tpu.memory_space<hbm>> -> memref<2x2048xf32, #tpu.memory_space<hbm>>
    tpu.enqueue_dma source(%dma_start3A_21 : memref<2x2048xf32, #tpu.memory_space<hbm>>) target(%arg6 : memref<2x2048xf32, #tpu.memory_space<vmem>>) target_semaphore(%arg22 : memref<!tpu.dma_semaphore, #tpu.memory_space<semaphore_mem>>)
    %add3A_22 = arith.constant 6 : i32
    %add3A_23 = arith.addi %mul3A_2, %add3A_22 : i32
    %multiple_of3A_24 = tpu.assume_multiple %add3A_23, 2 : i32
    %dma_start3A_25 = arith.constant 0 : i32
    %dma_start3A_26 = tpu.memref_slice %arg2[%multiple_of3A_24, %dma_start3A_25] : memref<16384x2048xf32, #tpu.memory_space<hbm>> -> memref<2x2048xf32, #tpu.memory_space<hbm>>
    %dma_start3A_27 = arith.constant 0 : i32
    %dma_start3A_28 = tpu.memref_slice %arg2[%multiple_of3A_24, %dma_start3A_27] : memref<16384x2048xf32, #tpu.memory_space<hbm>> -> memref<2x2048xf32, #tpu.memory_space<hbm>>
    tpu.enqueue_dma source(%dma_start3A_28 : memref<2x2048xf32, #tpu.memory_space<hbm>>) target(%arg7 : memref<2x2048xf32, #tpu.memory_space<vmem>>) target_semaphore(%arg23 : memref<!tpu.dma_semaphore, #tpu.memory_space<semaphore_mem>>)
    %add3A_29 = arith.constant 8 : i32
    %add3A_30 = arith.addi %mul3A_2, %add3A_29 : i32
    %multiple_of3A_31 = tpu.assume_multiple %add3A_30, 2 : i32
    %dma_start3A_32 = arith.constant 0 : i32
    %dma_start3A_33 = tpu.memref_slice %arg2[%multiple_of3A_31, %dma_start3A_32] : memref<16384x2048xf32, #tpu.memory_space<hbm>> -> memref<2x2048xf32, #tpu.memory_space<hbm>>
    %dma_start3A_34 = arith.constant 0 : i32
    %dma_start3A_35 = tpu.memref_slice %arg2[%multiple_of3A_31, %dma_start3A_34] : memref<16384x2048xf32, #tpu.memory_space<hbm>> -> memref<2x2048xf32, #tpu.memory_space<hbm>>
    tpu.enqueue_dma source(%dma_start3A_35 : memref<2x2048xf32, #tpu.memory_space<hbm>>) target(%arg8 : memref<2x2048xf32, #tpu.memory_space<vmem>>) target_semaphore(%arg24 : memref<!tpu.dma_semaphore, #tpu.memory_space<semaphore_mem>>)
    %add3A_36 = arith.constant 10 : i32
    %add3A_37 = arith.addi %mul3A_2, %add3A_36 : i32
    %multiple_of3A_38 = tpu.assume_multiple %add3A_37, 2 : i32
    %dma_start3A_39 = arith.constant 0 : i32
    %dma_start3A_40 = tpu.memref_slice %arg2[%multiple_of3A_38, %dma_start3A_39] : memref<16384x2048xf32, #tpu.memory_space<hbm>> -> memref<2x2048xf32, #tpu.memory_space<hbm>>
    %dma_start3A_41 = arith.constant 0 : i32
    %dma_start3A_42 = tpu.memref_slice %arg2[%multiple_of3A_38, %dma_start3A_41] : memref<16384x2048xf32, #tpu.memory_space<hbm>> -> memref<2x2048xf32, #tpu.memory_space<hbm>>
    tpu.enqueue_dma source(%dma_start3A_42 : memref<2x2048xf32, #tpu.memory_space<hbm>>) target(%arg9 : memref<2x2048xf32, #tpu.memory_space<vmem>>) target_semaphore(%arg25 : memref<!tpu.dma_semaphore, #tpu.memory_space<semaphore_mem>>)
    %add3A_43 = arith.constant 12 : i32
    %add3A_44 = arith.addi %mul3A_2, %add3A_43 : i32
    %multiple_of3A_45 = tpu.assume_multiple %add3A_44, 2 : i32
    %dma_start3A_46 = arith.constant 0 : i32
    %dma_start3A_47 = tpu.memref_slice %arg2[%multiple_of3A_45, %dma_start3A_46] : memref<16384x2048xf32, #tpu.memory_space<hbm>> -> memref<2x2048xf32, #tpu.memory_space<hbm>>
    %dma_start3A_48 = arith.constant 0 : i32
    %dma_start3A_49 = tpu.memref_slice %arg2[%multiple_of3A_45, %dma_start3A_48] : memref<16384x2048xf32, #tpu.memory_space<hbm>> -> memref<2x2048xf32, #tpu.memory_space<hbm>>
    tpu.enqueue_dma source(%dma_start3A_49 : memref<2x2048xf32, #tpu.memory_space<hbm>>) target(%arg10 : memref<2x2048xf32, #tpu.memory_space<vmem>>) target_semaphore(%arg26 : memref<!tpu.dma_semaphore, #tpu.memory_space<semaphore_mem>>)
    %add3A_50 = arith.constant 14 : i32
    %add3A_51 = arith.addi %mul3A_2, %add3A_50 : i32
    %multiple_of3A_52 = tpu.assume_multiple %add3A_51, 2 : i32
    %dma_start3A_53 = arith.constant 0 : i32
    %dma_start3A_54 = tpu.memref_slice %arg2[%multiple_of3A_52, %dma_start3A_53] : memref<16384x2048xf32, #tpu.memory_space<hbm>> -> memref<2x2048xf32, #tpu.memory_space<hbm>>
    %dma_start3A_55 = arith.constant 0 : i32
    %dma_start3A_56 = tpu.memref_slice %arg2[%multiple_of3A_52, %dma_start3A_55] : memref<16384x2048xf32, #tpu.memory_space<hbm>> -> memref<2x2048xf32, #tpu.memory_space<hbm>>
    tpu.enqueue_dma source(%dma_start3A_56 : memref<2x2048xf32, #tpu.memory_space<hbm>>) target(%arg11 : memref<2x2048xf32, #tpu.memory_space<vmem>>) target_semaphore(%arg27 : memref<!tpu.dma_semaphore, #tpu.memory_space<semaphore_mem>>)
    %scan3A = arith.constant 0 : i32
    %scan3A_57 = arith.constant 32 : i32
    %scan3A_58 = arith.addi %scan3A, %scan3A_57 : i32
    %scan3A_59 = arith.constant 1 : i32
    scf.for %scan3A_116 = %scan3A to %scan3A_58 step %scan3A_59  : i32 {
      %mul3A_117 = arith.constant 8 : i32
      %mul3A_118 = arith.muli %scan3A_116, %mul3A_117 : i32
      %add3A_119 = arith.constant 0 : i32
      %add3A_120 = arith.addi %add3A_119, %mul3A_118 : i32
      %add3A_121 = arith.constant 0 : i32
      %add3A_122 = arith.addi %add3A_120, %add3A_121 : i32
      %mul3A_123 = arith.constant 2 : i32
      %mul3A_124 = arith.muli %add3A_122, %mul3A_123 : i32
      %add3A_125 = arith.addi %mul3A_2, %mul3A_124 : i32
      %multiple_of3A_126 = tpu.assume_multiple %add3A_125, 2 : i32
      %dma_wait3A_127 = arith.constant 0 : i32
      %dma_wait3A_128 = tpu.memref_slice %arg2[%multiple_of3A_126, %dma_wait3A_127] : memref<16384x2048xf32, #tpu.memory_space<hbm>> -> memref<2x2048xf32, #tpu.memory_space<hbm>>
      %dma_wait3A_129 = arith.constant 0 : i32
      %dma_wait3A_130 = tpu.memref_slice %arg2[%multiple_of3A_126, %dma_wait3A_129] : memref<16384x2048xf32, #tpu.memory_space<hbm>> -> memref<2x2048xf32, #tpu.memory_space<hbm>>
      tpu.wait_dma2 semaphore(%arg20 : memref<!tpu.dma_semaphore, #tpu.memory_space<semaphore_mem>>) src(%dma_wait3A_130 : memref<2x2048xf32, #tpu.memory_space<hbm>>) dst(%arg4 : memref<2x2048xf32, #tpu.memory_space<vmem>>)
      %ge3A = arith.constant 8 : i32
      %ge3A_131 = arith.cmpi sge, %add3A_122, %ge3A : i32
      %convert_element_type3A = arith.extui %ge3A_131 : i1 to i32
      %cond3A = arith.constant 0 : i32
      %cond3A_132 = arith.cmpi ne, %convert_element_type3A, %cond3A : i32
      scf.if %cond3A_132 {
        %sub3A = arith.constant 8 : i32
        %sub3A_471 = arith.subi %add3A_122, %sub3A : i32
        %mul3A_472 = arith.constant 2 : i32
        %mul3A_473 = arith.muli %sub3A_471, %mul3A_472 : i32
        %add3A_474 = arith.addi %mul3A_2, %mul3A_473 : i32
        %multiple_of3A_475 = tpu.assume_multiple %add3A_474, 2 : i32
        %dma_wait3A_476 = arith.constant 0 : i32
        %dma_wait3A_477 = tpu.memref_slice %arg3[%multiple_of3A_475, %dma_wait3A_476] : memref<16384x2048xf32, #tpu.memory_space<hbm>> -> memref<2x2048xf32, #tpu.memory_space<hbm>>
        %dma_wait3A_478 = arith.constant 0 : i32
        %dma_wait3A_479 = tpu.memref_slice %arg3[%multiple_of3A_475, %dma_wait3A_478] : memref<16384x2048xf32, #tpu.memory_space<hbm>> -> memref<2x2048xf32, #tpu.memory_space<hbm>>
        tpu.wait_dma2 semaphore(%arg28 : memref<!tpu.dma_semaphore, #tpu.memory_space<semaphore_mem>>) src(%arg12 : memref<2x2048xf32, #tpu.memory_space<vmem>>) dst(%dma_wait3A_479 : memref<2x2048xf32, #tpu.memory_space<hbm>>)
      } else {
      }
      %iota3A = tpu.iota {dimensions = array<i32: 0>} : vector<16xi32>
      %eq3A = arith.constant 0 : i32
      %eq3A_133 = vector.broadcast %eq3A : i32 to vector<16xi32>
      %eq3A_134 = arith.cmpi eq, %iota3A, %eq3A_133 : vector<16xi32>
      %jit3A = arith.constant 1.000000e+00 : f32
      %jit3A_135 = arith.constant 0.000000e+00 : f32
      %broadcast_in_dim3A = vector.broadcast %jit3A : f32 to vector<16xf32>
      %broadcast_in_dim3A_136 = vector.broadcast %jit3A_135 : f32 to vector<16xf32>
      %select_n3A = arith.select %eq3A_134, %broadcast_in_dim3A, %broadcast_in_dim3A_136 : vector<16xi1>, vector<16xf32>
      %parallel_loop3A = arith.constant 0 : i32
      %parallel_loop3A_137 = arith.constant 128 : i32
      %parallel_loop3A_138 = arith.constant 1 : i32
      scf.for %parallel_loop3A_471 = %parallel_loop3A to %parallel_loop3A_137 step %parallel_loop3A_138  : i32 {
        %parallel_loop3A_472 = arith.constant 16 : i32
        %parallel_loop3A_473 = arith.muli %parallel_loop3A_471, %parallel_loop3A_472 : i32
        %parallel_loop3A_474 = tpu.assume_multiple %parallel_loop3A_473, 16 : i32
        %parallel_loop3A_475 = arith.constant 0 : i32
        %parallel_loop3A_476 = arith.index_cast %parallel_loop3A_475 : i32 to index
        %parallel_loop3A_477 = arith.index_cast %parallel_loop3A_474 : i32 to index
        %parallel_loop3A_478 = tpu.vector_load %arg4[%parallel_loop3A_476, %parallel_loop3A_477] {strides = array<i32>} : memref<2x2048xf32, #tpu.memory_space<vmem>>, vector<16xf32>,
        %parallel_loop3A_479 = arith.mulf %parallel_loop3A_478, %select_n3A : vector<16xf32>
        %parallel_loop3A_480 = arith.constant 0 : i32
        %parallel_loop3A_481 = arith.index_cast %parallel_loop3A_480 : i32 to index
        %parallel_loop3A_482 = arith.index_cast %parallel_loop3A_474 : i32 to index
        %parallel_loop3A_483 = tpu.vector_load %arg12[%parallel_loop3A_481, %parallel_loop3A_482] {strides = array<i32>} : memref<2x2048xf32, #tpu.memory_space<vmem>>, vector<16xf32>,
        tpu.vector_store %arg12[%parallel_loop3A_481, %parallel_loop3A_482], %parallel_loop3A_479 {strides = array<i32>} : memref<2x2048xf32, #tpu.memory_space<vmem>>, vector<16xf32>,
      } {sc.loop_unroll_factor = 8 : i64, sc.parallel_access}
      %parallel_loop3A_139 = arith.constant 0 : i32
      %parallel_loop3A_140 = arith.constant 128 : i32
      %parallel_loop3A_141 = arith.constant 1 : i32
      scf.for %parallel_loop3A_471 = %parallel_loop3A_139 to %parallel_loop3A_140 step %parallel_loop3A_141  : i32 {
        %parallel_loop3A_472 = arith.constant 16 : i32
        %parallel_loop3A_473 = arith.muli %parallel_loop3A_471, %parallel_loop3A_472 : i32
        %parallel_loop3A_474 = tpu.assume_multiple %parallel_loop3A_473, 16 : i32
        %parallel_loop3A_475 = arith.constant 1 : i32
        %parallel_loop3A_476 = arith.index_cast %parallel_loop3A_475 : i32 to index
        %parallel_loop3A_477 = arith.index_cast %parallel_loop3A_474 : i32 to index
        %parallel_loop3A_478 = tpu.vector_load %arg4[%parallel_loop3A_476, %parallel_loop3A_477] {strides = array<i32>} : memref<2x2048xf32, #tpu.memory_space<vmem>>, vector<16xf32>,
        %parallel_loop3A_479 = arith.mulf %parallel_loop3A_478, %select_n3A : vector<16xf32>
        %parallel_loop3A_480 = arith.constant 1 : i32
        %parallel_loop3A_481 = arith.index_cast %parallel_loop3A_480 : i32 to index
        %parallel_loop3A_482 = arith.index_cast %parallel_loop3A_474 : i32 to index
        %parallel_loop3A_483 = tpu.vector_load %arg12[%parallel_loop3A_481, %parallel_loop3A_482] {strides = array<i32>} : memref<2x2048xf32, #tpu.memory_space<vmem>>, vector<16xf32>,
        tpu.vector_store %arg12[%parallel_loop3A_481, %parallel_loop3A_482], %parallel_loop3A_479 {strides = array<i32>} : memref<2x2048xf32, #tpu.memory_space<vmem>>, vector<16xf32>,
      } {sc.loop_unroll_factor = 8 : i64, sc.parallel_access}
      %mul3A_142 = arith.constant 2 : i32
      %mul3A_143 = arith.muli %add3A_122, %mul3A_142 : i32
      %add3A_144 = arith.addi %mul3A_2, %mul3A_143 : i32
      %multiple_of3A_145 = tpu.assume_multiple %add3A_144, 2 : i32
      %dma_start3A_146 = arith.constant 0 : i32
      %dma_start3A_147 = tpu.memref_slice %arg3[%multiple_of3A_145, %dma_start3A_146] : memref<16384x2048xf32, #tpu.memory_space<hbm>> -> memref<2x2048xf32, #tpu.memory_space<hbm>>
      %dma_start3A_148 = arith.constant 0 : i32
      %dma_start3A_149 = tpu.memref_slice %arg3[%multiple_of3A_145, %dma_start3A_148] : memref<16384x2048xf32, #tpu.memory_space<hbm>> -> memref<2x2048xf32, #tpu.memory_space<hbm>>
      tpu.enqueue_dma source(%arg12 : memref<2x2048xf32, #tpu.memory_space<vmem>>) target(%dma_start3A_149 : memref<2x2048xf32, #tpu.memory_space<hbm>>) target_semaphore(%arg28 : memref<!tpu.dma_semaphore, #tpu.memory_space<semaphore_mem>>)
      %add3A_150 = arith.constant 8 : i32
      %add3A_151 = arith.addi %add3A_122, %add3A_150 : i32
      %lt3A = arith.constant 256 : i32
      %lt3A_152 = arith.cmpi slt, %add3A_151, %lt3A : i32
      %convert_element_type3A_153 = arith.extui %lt3A_152 : i1 to i32
      %cond3A_154 = arith.constant 0 : i32
      %cond3A_155 = arith.cmpi ne, %convert_element_type3A_153, %cond3A_154 : i32
      scf.if %cond3A_155 {
        %add3A_471 = arith.constant 8 : i32
        %add3A_472 = arith.addi %add3A_122, %add3A_471 : i32
        %mul3A_473 = arith.constant 2 : i32
        %mul3A_474 = arith.muli %add3A_472, %mul3A_473 : i32
        %add3A_475 = arith.addi %mul3A_2, %mul3A_474 : i32
        %multiple_of3A_476 = tpu.assume_multiple %add3A_475, 2 : i32
        %dma_start3A_477 = arith.constant 0 : i32
        %dma_start3A_478 = tpu.memref_slice %arg2[%multiple_of3A_476, %dma_start3A_477] : memref<16384x2048xf32, #tpu.memory_space<hbm>> -> memref<2x2048xf32, #tpu.memory_space<hbm>>
        %dma_start3A_479 = arith.constant 0 : i32
        %dma_start3A_480 = tpu.memref_slice %arg2[%multiple_of3A_476, %dma_start3A_479] : memref<16384x2048xf32, #tpu.memory_space<hbm>> -> memref<2x2048xf32, #tpu.memory_space<hbm>>
        tpu.enqueue_dma source(%dma_start3A_480 : memref<2x2048xf32, #tpu.memory_space<hbm>>) target(%arg4 : memref<2x2048xf32, #tpu.memory_space<vmem>>) target_semaphore(%arg20 : memref<!tpu.dma_semaphore, #tpu.memory_space<semaphore_mem>>)
      } else {
      }
      %add3A_156 = arith.constant 1 : i32
      %add3A_157 = arith.addi %add3A_120, %add3A_156 : i32
      %mul3A_158 = arith.constant 2 : i32
      %mul3A_159 = arith.muli %add3A_157, %mul3A_158 : i32
      %add3A_160 = arith.addi %mul3A_2, %mul3A_159 : i32
      %multiple_of3A_161 = tpu.assume_multiple %add3A_160, 2 : i32
      %dma_wait3A_162 = arith.constant 0 : i32
      %dma_wait3A_163 = tpu.memref_slice %arg2[%multiple_of3A_161, %dma_wait3A_162] : memref<16384x2048xf32, #tpu.memory_space<hbm>> -> memref<2x2048xf32, #tpu.memory_space<hbm>>
      %dma_wait3A_164 = arith.constant 0 : i32
      %dma_wait3A_165 = tpu.memref_slice %arg2[%multiple_of3A_161, %dma_wait3A_164] : memref<16384x2048xf32, #tpu.memory_space<hbm>> -> memref<2x2048xf32, #tpu.memory_space<hbm>>
      tpu.wait_dma2 semaphore(%arg21 : memref<!tpu.dma_semaphore, #tpu.memory_space<semaphore_mem>>) src(%dma_wait3A_165 : memref<2x2048xf32, #tpu.memory_space<hbm>>) dst(%arg5 : memref<2x2048xf32, #tpu.memory_space<vmem>>)
      %ge3A_166 = arith.constant 8 : i32
      %ge3A_167 = arith.cmpi sge, %add3A_157, %ge3A_166 : i32
      %convert_element_type3A_168 = arith.extui %ge3A_167 : i1 to i32
      %cond3A_169 = arith.constant 0 : i32
      %cond3A_170 = arith.cmpi ne, %convert_element_type3A_168, %cond3A_169 : i32
      scf.if %cond3A_170 {
        %sub3A = arith.constant 8 : i32
        %sub3A_471 = arith.subi %add3A_157, %sub3A : i32
        %mul3A_472 = arith.constant 2 : i32
        %mul3A_473 = arith.muli %sub3A_471, %mul3A_472 : i32
        %add3A_474 = arith.addi %mul3A_2, %mul3A_473 : i32
        %multiple_of3A_475 = tpu.assume_multiple %add3A_474, 2 : i32
        %dma_wait3A_476 = arith.constant 0 : i32
        %dma_wait3A_477 = tpu.memref_slice %arg3[%multiple_of3A_475, %dma_wait3A_476] : memref<16384x2048xf32, #tpu.memory_space<hbm>> -> memref<2x2048xf32, #tpu.memory_space<hbm>>
        %dma_wait3A_478 = arith.constant 0 : i32
        %dma_wait3A_479 = tpu.memref_slice %arg3[%multiple_of3A_475, %dma_wait3A_478] : memref<16384x2048xf32, #tpu.memory_space<hbm>> -> memref<2x2048xf32, #tpu.memory_space<hbm>>
        tpu.wait_dma2 semaphore(%arg29 : memref<!tpu.dma_semaphore, #tpu.memory_space<semaphore_mem>>) src(%arg13 : memref<2x2048xf32, #tpu.memory_space<vmem>>) dst(%dma_wait3A_479 : memref<2x2048xf32, #tpu.memory_space<hbm>>)
      } else {
      }
      %iota3A_171 = tpu.iota {dimensions = array<i32: 0>} : vector<16xi32>
      %eq3A_172 = arith.constant 0 : i32
      %eq3A_173 = vector.broadcast %eq3A_172 : i32 to vector<16xi32>
      %eq3A_174 = arith.cmpi eq, %iota3A_171, %eq3A_173 : vector<16xi32>
      %jit3A_175 = arith.constant 1.000000e+00 : f32
      %jit3A_176 = arith.constant 0.000000e+00 : f32
      %broadcast_in_dim3A_177 = vector.broadcast %jit3A_175 : f32 to vector<16xf32>
      %broadcast_in_dim3A_178 = vector.broadcast %jit3A_176 : f32 to vector<16xf32>
      %select_n3A_179 = arith.select %eq3A_174, %broadcast_in_dim3A_177, %broadcast_in_dim3A_178 : vector<16xi1>, vector<16xf32>
      %parallel_loop3A_180 = arith.constant 0 : i32
      %parallel_loop3A_181 = arith.constant 128 : i32
      %parallel_loop3A_182 = arith.constant 1 : i32
      scf.for %parallel_loop3A_471 = %parallel_loop3A_180 to %parallel_loop3A_181 step %parallel_loop3A_182  : i32 {
        %parallel_loop3A_472 = arith.constant 16 : i32
        %parallel_loop3A_473 = arith.muli %parallel_loop3A_471, %parallel_loop3A_472 : i32
        %parallel_loop3A_474 = tpu.assume_multiple %parallel_loop3A_473, 16 : i32
        %parallel_loop3A_475 = arith.constant 0 : i32
        %parallel_loop3A_476 = arith.index_cast %parallel_loop3A_475 : i32 to index
        %parallel_loop3A_477 = arith.index_cast %parallel_loop3A_474 : i32 to index
        %parallel_loop3A_478 = tpu.vector_load %arg5[%parallel_loop3A_476, %parallel_loop3A_477] {strides = array<i32>} : memref<2x2048xf32, #tpu.memory_space<vmem>>, vector<16xf32>,
        %parallel_loop3A_479 = arith.mulf %parallel_loop3A_478, %select_n3A_179 : vector<16xf32>
        %parallel_loop3A_480 = arith.constant 0 : i32
        %parallel_loop3A_481 = arith.index_cast %parallel_loop3A_480 : i32 to index
        %parallel_loop3A_482 = arith.index_cast %parallel_loop3A_474 : i32 to index
        %parallel_loop3A_483 = tpu.vector_load %arg13[%parallel_loop3A_481, %parallel_loop3A_482] {strides = array<i32>} : memref<2x2048xf32, #tpu.memory_space<vmem>>, vector<16xf32>,
        tpu.vector_store %arg13[%parallel_loop3A_481, %parallel_loop3A_482], %parallel_loop3A_479 {strides = array<i32>} : memref<2x2048xf32, #tpu.memory_space<vmem>>, vector<16xf32>,
      } {sc.loop_unroll_factor = 8 : i64, sc.parallel_access}
      %parallel_loop3A_183 = arith.constant 0 : i32
      %parallel_loop3A_184 = arith.constant 128 : i32
      %parallel_loop3A_185 = arith.constant 1 : i32
      scf.for %parallel_loop3A_471 = %parallel_loop3A_183 to %parallel_loop3A_184 step %parallel_loop3A_185  : i32 {
        %parallel_loop3A_472 = arith.constant 16 : i32
        %parallel_loop3A_473 = arith.muli %parallel_loop3A_471, %parallel_loop3A_472 : i32
        %parallel_loop3A_474 = tpu.assume_multiple %parallel_loop3A_473, 16 : i32
        %parallel_loop3A_475 = arith.constant 1 : i32
        %parallel_loop3A_476 = arith.index_cast %parallel_loop3A_475 : i32 to index
        %parallel_loop3A_477 = arith.index_cast %parallel_loop3A_474 : i32 to index
        %parallel_loop3A_478 = tpu.vector_load %arg5[%parallel_loop3A_476, %parallel_loop3A_477] {strides = array<i32>} : memref<2x2048xf32, #tpu.memory_space<vmem>>, vector<16xf32>,
        %parallel_loop3A_479 = arith.mulf %parallel_loop3A_478, %select_n3A_179 : vector<16xf32>
        %parallel_loop3A_480 = arith.constant 1 : i32
        %parallel_loop3A_481 = arith.index_cast %parallel_loop3A_480 : i32 to index
        %parallel_loop3A_482 = arith.index_cast %parallel_loop3A_474 : i32 to index
        %parallel_loop3A_483 = tpu.vector_load %arg13[%parallel_loop3A_481, %parallel_loop3A_482] {strides = array<i32>} : memref<2x2048xf32, #tpu.memory_space<vmem>>, vector<16xf32>,
        tpu.vector_store %arg13[%parallel_loop3A_481, %parallel_loop3A_482], %parallel_loop3A_479 {strides = array<i32>} : memref<2x2048xf32, #tpu.memory_space<vmem>>, vector<16xf32>,
      } {sc.loop_unroll_factor = 8 : i64, sc.parallel_access}
      %mul3A_186 = arith.constant 2 : i32
      %mul3A_187 = arith.muli %add3A_157, %mul3A_186 : i32
      %add3A_188 = arith.addi %mul3A_2, %mul3A_187 : i32
      %multiple_of3A_189 = tpu.assume_multiple %add3A_188, 2 : i32
      %dma_start3A_190 = arith.constant 0 : i32
      %dma_start3A_191 = tpu.memref_slice %arg3[%multiple_of3A_189, %dma_start3A_190] : memref<16384x2048xf32, #tpu.memory_space<hbm>> -> memref<2x2048xf32, #tpu.memory_space<hbm>>
      %dma_start3A_192 = arith.constant 0 : i32
      %dma_start3A_193 = tpu.memref_slice %arg3[%multiple_of3A_189, %dma_start3A_192] : memref<16384x2048xf32, #tpu.memory_space<hbm>> -> memref<2x2048xf32, #tpu.memory_space<hbm>>
      tpu.enqueue_dma source(%arg13 : memref<2x2048xf32, #tpu.memory_space<vmem>>) target(%dma_start3A_193 : memref<2x2048xf32, #tpu.memory_space<hbm>>) target_semaphore(%arg29 : memref<!tpu.dma_semaphore, #tpu.memory_space<semaphore_mem>>)
      %add3A_194 = arith.constant 8 : i32
      %add3A_195 = arith.addi %add3A_157, %add3A_194 : i32
      %lt3A_196 = arith.constant 256 : i32
      %lt3A_197 = arith.cmpi slt, %add3A_195, %lt3A_196 : i32
      %convert_element_type3A_198 = arith.extui %lt3A_197 : i1 to i32
      %cond3A_199 = arith.constant 0 : i32
      %cond3A_200 = arith.cmpi ne, %convert_element_type3A_198, %cond3A_199 : i32
      scf.if %cond3A_200 {
        %add3A_471 = arith.constant 8 : i32
        %add3A_472 = arith.addi %add3A_157, %add3A_471 : i32
        %mul3A_473 = arith.constant 2 : i32
        %mul3A_474 = arith.muli %add3A_472, %mul3A_473 : i32
        %add3A_475 = arith.addi %mul3A_2, %mul3A_474 : i32
        %multiple_of3A_476 = tpu.assume_multiple %add3A_475, 2 : i32
        %dma_start3A_477 = arith.constant 0 : i32
        %dma_start3A_478 = tpu.memref_slice %arg2[%multiple_of3A_476, %dma_start3A_477] : memref<16384x2048xf32, #tpu.memory_space<hbm>> -> memref<2x2048xf32, #tpu.memory_space<hbm>>
        %dma_start3A_479 = arith.constant 0 : i32
        %dma_start3A_480 = tpu.memref_slice %arg2[%multiple_of3A_476, %dma_start3A_479] : memref<16384x2048xf32, #tpu.memory_space<hbm>> -> memref<2x2048xf32, #tpu.memory_space<hbm>>
        tpu.enqueue_dma source(%dma_start3A_480 : memref<2x2048xf32, #tpu.memory_space<hbm>>) target(%arg5 : memref<2x2048xf32, #tpu.memory_space<vmem>>) target_semaphore(%arg21 : memref<!tpu.dma_semaphore, #tpu.memory_space<semaphore_mem>>)
      } else {
      }
      %add3A_201 = arith.constant 2 : i32
      %add3A_202 = arith.addi %add3A_120, %add3A_201 : i32
      %mul3A_203 = arith.constant 2 : i32
      %mul3A_204 = arith.muli %add3A_202, %mul3A_203 : i32
      %add3A_205 = arith.addi %mul3A_2, %mul3A_204 : i32
      %multiple_of3A_206 = tpu.assume_multiple %add3A_205, 2 : i32
      %dma_wait3A_207 = arith.constant 0 : i32
      %dma_wait3A_208 = tpu.memref_slice %arg2[%multiple_of3A_206, %dma_wait3A_207] : memref<16384x2048xf32, #tpu.memory_space<hbm>> -> memref<2x2048xf32, #tpu.memory_space<hbm>>
      %dma_wait3A_209 = arith.constant 0 : i32
      %dma_wait3A_210 = tpu.memref_slice %arg2[%multiple_of3A_206, %dma_wait3A_209] : memref<16384x2048xf32, #tpu.memory_space<hbm>> -> memref<2x2048xf32, #tpu.memory_space<hbm>>
      tpu.wait_dma2 semaphore(%arg22 : memref<!tpu.dma_semaphore, #tpu.memory_space<semaphore_mem>>) src(%dma_wait3A_210 : memref<2x2048xf32, #tpu.memory_space<hbm>>) dst(%arg6 : memref<2x2048xf32, #tpu.memory_space<vmem>>)
      %ge3A_211 = arith.constant 8 : i32
      %ge3A_212 = arith.cmpi sge, %add3A_202, %ge3A_211 : i32
      %convert_element_type3A_213 = arith.extui %ge3A_212 : i1 to i32
      %cond3A_214 = arith.constant 0 : i32
      %cond3A_215 = arith.cmpi ne, %convert_element_type3A_213, %cond3A_214 : i32
      scf.if %cond3A_215 {
        %sub3A = arith.constant 8 : i32
        %sub3A_471 = arith.subi %add3A_202, %sub3A : i32
        %mul3A_472 = arith.constant 2 : i32
        %mul3A_473 = arith.muli %sub3A_471, %mul3A_472 : i32
        %add3A_474 = arith.addi %mul3A_2, %mul3A_473 : i32
        %multiple_of3A_475 = tpu.assume_multiple %add3A_474, 2 : i32
        %dma_wait3A_476 = arith.constant 0 : i32
        %dma_wait3A_477 = tpu.memref_slice %arg3[%multiple_of3A_475, %dma_wait3A_476] : memref<16384x2048xf32, #tpu.memory_space<hbm>> -> memref<2x2048xf32, #tpu.memory_space<hbm>>
        %dma_wait3A_478 = arith.constant 0 : i32
        %dma_wait3A_479 = tpu.memref_slice %arg3[%multiple_of3A_475, %dma_wait3A_478] : memref<16384x2048xf32, #tpu.memory_space<hbm>> -> memref<2x2048xf32, #tpu.memory_space<hbm>>
        tpu.wait_dma2 semaphore(%arg30 : memref<!tpu.dma_semaphore, #tpu.memory_space<semaphore_mem>>) src(%arg14 : memref<2x2048xf32, #tpu.memory_space<vmem>>) dst(%dma_wait3A_479 : memref<2x2048xf32, #tpu.memory_space<hbm>>)
      } else {
      }
      %iota3A_216 = tpu.iota {dimensions = array<i32: 0>} : vector<16xi32>
      %eq3A_217 = arith.constant 0 : i32
      %eq3A_218 = vector.broadcast %eq3A_217 : i32 to vector<16xi32>
      %eq3A_219 = arith.cmpi eq, %iota3A_216, %eq3A_218 : vector<16xi32>
      %jit3A_220 = arith.constant 1.000000e+00 : f32
      %jit3A_221 = arith.constant 0.000000e+00 : f32
      %broadcast_in_dim3A_222 = vector.broadcast %jit3A_220 : f32 to vector<16xf32>
      %broadcast_in_dim3A_223 = vector.broadcast %jit3A_221 : f32 to vector<16xf32>
      %select_n3A_224 = arith.select %eq3A_219, %broadcast_in_dim3A_222, %broadcast_in_dim3A_223 : vector<16xi1>, vector<16xf32>
      %parallel_loop3A_225 = arith.constant 0 : i32
      %parallel_loop3A_226 = arith.constant 128 : i32
      %parallel_loop3A_227 = arith.constant 1 : i32
      scf.for %parallel_loop3A_471 = %parallel_loop3A_225 to %parallel_loop3A_226 step %parallel_loop3A_227  : i32 {
        %parallel_loop3A_472 = arith.constant 16 : i32
        %parallel_loop3A_473 = arith.muli %parallel_loop3A_471, %parallel_loop3A_472 : i32
        %parallel_loop3A_474 = tpu.assume_multiple %parallel_loop3A_473, 16 : i32
        %parallel_loop3A_475 = arith.constant 0 : i32
        %parallel_loop3A_476 = arith.index_cast %parallel_loop3A_475 : i32 to index
        %parallel_loop3A_477 = arith.index_cast %parallel_loop3A_474 : i32 to index
        %parallel_loop3A_478 = tpu.vector_load %arg6[%parallel_loop3A_476, %parallel_loop3A_477] {strides = array<i32>} : memref<2x2048xf32, #tpu.memory_space<vmem>>, vector<16xf32>,
        %parallel_loop3A_479 = arith.mulf %parallel_loop3A_478, %select_n3A_224 : vector<16xf32>
        %parallel_loop3A_480 = arith.constant 0 : i32
        %parallel_loop3A_481 = arith.index_cast %parallel_loop3A_480 : i32 to index
        %parallel_loop3A_482 = arith.index_cast %parallel_loop3A_474 : i32 to index
        %parallel_loop3A_483 = tpu.vector_load %arg14[%parallel_loop3A_481, %parallel_loop3A_482] {strides = array<i32>} : memref<2x2048xf32, #tpu.memory_space<vmem>>, vector<16xf32>,
        tpu.vector_store %arg14[%parallel_loop3A_481, %parallel_loop3A_482], %parallel_loop3A_479 {strides = array<i32>} : memref<2x2048xf32, #tpu.memory_space<vmem>>, vector<16xf32>,
      } {sc.loop_unroll_factor = 8 : i64, sc.parallel_access}
      %parallel_loop3A_228 = arith.constant 0 : i32
      %parallel_loop3A_229 = arith.constant 128 : i32
      %parallel_loop3A_230 = arith.constant 1 : i32
      scf.for %parallel_loop3A_471 = %parallel_loop3A_228 to %parallel_loop3A_229 step %parallel_loop3A_230  : i32 {
        %parallel_loop3A_472 = arith.constant 16 : i32
        %parallel_loop3A_473 = arith.muli %parallel_loop3A_471, %parallel_loop3A_472 : i32
        %parallel_loop3A_474 = tpu.assume_multiple %parallel_loop3A_473, 16 : i32
        %parallel_loop3A_475 = arith.constant 1 : i32
        %parallel_loop3A_476 = arith.index_cast %parallel_loop3A_475 : i32 to index
        %parallel_loop3A_477 = arith.index_cast %parallel_loop3A_474 : i32 to index
        %parallel_loop3A_478 = tpu.vector_load %arg6[%parallel_loop3A_476, %parallel_loop3A_477] {strides = array<i32>} : memref<2x2048xf32, #tpu.memory_space<vmem>>, vector<16xf32>,
        %parallel_loop3A_479 = arith.mulf %parallel_loop3A_478, %select_n3A_224 : vector<16xf32>
        %parallel_loop3A_480 = arith.constant 1 : i32
        %parallel_loop3A_481 = arith.index_cast %parallel_loop3A_480 : i32 to index
        %parallel_loop3A_482 = arith.index_cast %parallel_loop3A_474 : i32 to index
        %parallel_loop3A_483 = tpu.vector_load %arg14[%parallel_loop3A_481, %parallel_loop3A_482] {strides = array<i32>} : memref<2x2048xf32, #tpu.memory_space<vmem>>, vector<16xf32>,
        tpu.vector_store %arg14[%parallel_loop3A_481, %parallel_loop3A_482], %parallel_loop3A_479 {strides = array<i32>} : memref<2x2048xf32, #tpu.memory_space<vmem>>, vector<16xf32>,
      } {sc.loop_unroll_factor = 8 : i64, sc.parallel_access}
      %mul3A_231 = arith.constant 2 : i32
      %mul3A_232 = arith.muli %add3A_202, %mul3A_231 : i32
      %add3A_233 = arith.addi %mul3A_2, %mul3A_232 : i32
      %multiple_of3A_234 = tpu.assume_multiple %add3A_233, 2 : i32
      %dma_start3A_235 = arith.constant 0 : i32
      %dma_start3A_236 = tpu.memref_slice %arg3[%multiple_of3A_234, %dma_start3A_235] : memref<16384x2048xf32, #tpu.memory_space<hbm>> -> memref<2x2048xf32, #tpu.memory_space<hbm>>
      %dma_start3A_237 = arith.constant 0 : i32
      %dma_start3A_238 = tpu.memref_slice %arg3[%multiple_of3A_234, %dma_start3A_237] : memref<16384x2048xf32, #tpu.memory_space<hbm>> -> memref<2x2048xf32, #tpu.memory_space<hbm>>
      tpu.enqueue_dma source(%arg14 : memref<2x2048xf32, #tpu.memory_space<vmem>>) target(%dma_start3A_238 : memref<2x2048xf32, #tpu.memory_space<hbm>>) target_semaphore(%arg30 : memref<!tpu.dma_semaphore, #tpu.memory_space<semaphore_mem>>)
      %add3A_239 = arith.constant 8 : i32
      %add3A_240 = arith.addi %add3A_202, %add3A_239 : i32
      %lt3A_241 = arith.constant 256 : i32
      %lt3A_242 = arith.cmpi slt, %add3A_240, %lt3A_241 : i32
      %convert_element_type3A_243 = arith.extui %lt3A_242 : i1 to i32
      %cond3A_244 = arith.constant 0 : i32
      %cond3A_245 = arith.cmpi ne, %convert_element_type3A_243, %cond3A_244 : i32
      scf.if %cond3A_245 {
        %add3A_471 = arith.constant 8 : i32
        %add3A_472 = arith.addi %add3A_202, %add3A_471 : i32
        %mul3A_473 = arith.constant 2 : i32
        %mul3A_474 = arith.muli %add3A_472, %mul3A_473 : i32
        %add3A_475 = arith.addi %mul3A_2, %mul3A_474 : i32
        %multiple_of3A_476 = tpu.assume_multiple %add3A_475, 2 : i32
        %dma_start3A_477 = arith.constant 0 : i32
        %dma_start3A_478 = tpu.memref_slice %arg2[%multiple_of3A_476, %dma_start3A_477] : memref<16384x2048xf32, #tpu.memory_space<hbm>> -> memref<2x2048xf32, #tpu.memory_space<hbm>>
        %dma_start3A_479 = arith.constant 0 : i32
        %dma_start3A_480 = tpu.memref_slice %arg2[%multiple_of3A_476, %dma_start3A_479] : memref<16384x2048xf32, #tpu.memory_space<hbm>> -> memref<2x2048xf32, #tpu.memory_space<hbm>>
        tpu.enqueue_dma source(%dma_start3A_480 : memref<2x2048xf32, #tpu.memory_space<hbm>>) target(%arg6 : memref<2x2048xf32, #tpu.memory_space<vmem>>) target_semaphore(%arg22 : memref<!tpu.dma_semaphore, #tpu.memory_space<semaphore_mem>>)
      } else {
      }
      %add3A_246 = arith.constant 3 : i32
      %add3A_247 = arith.addi %add3A_120, %add3A_246 : i32
      %mul3A_248 = arith.constant 2 : i32
      %mul3A_249 = arith.muli %add3A_247, %mul3A_248 : i32
      %add3A_250 = arith.addi %mul3A_2, %mul3A_249 : i32
      %multiple_of3A_251 = tpu.assume_multiple %add3A_250, 2 : i32
      %dma_wait3A_252 = arith.constant 0 : i32
      %dma_wait3A_253 = tpu.memref_slice %arg2[%multiple_of3A_251, %dma_wait3A_252] : memref<16384x2048xf32, #tpu.memory_space<hbm>> -> memref<2x2048xf32, #tpu.memory_space<hbm>>
      %dma_wait3A_254 = arith.constant 0 : i32
      %dma_wait3A_255 = tpu.memref_slice %arg2[%multiple_of3A_251, %dma_wait3A_254] : memref<16384x2048xf32, #tpu.memory_space<hbm>> -> memref<2x2048xf32, #tpu.memory_space<hbm>>
      tpu.wait_dma2 semaphore(%arg23 : memref<!tpu.dma_semaphore, #tpu.memory_space<semaphore_mem>>) src(%dma_wait3A_255 : memref<2x2048xf32, #tpu.memory_space<hbm>>) dst(%arg7 : memref<2x2048xf32, #tpu.memory_space<vmem>>)
      %ge3A_256 = arith.constant 8 : i32
      %ge3A_257 = arith.cmpi sge, %add3A_247, %ge3A_256 : i32
      %convert_element_type3A_258 = arith.extui %ge3A_257 : i1 to i32
      %cond3A_259 = arith.constant 0 : i32
      %cond3A_260 = arith.cmpi ne, %convert_element_type3A_258, %cond3A_259 : i32
      scf.if %cond3A_260 {
        %sub3A = arith.constant 8 : i32
        %sub3A_471 = arith.subi %add3A_247, %sub3A : i32
        %mul3A_472 = arith.constant 2 : i32
        %mul3A_473 = arith.muli %sub3A_471, %mul3A_472 : i32
        %add3A_474 = arith.addi %mul3A_2, %mul3A_473 : i32
        %multiple_of3A_475 = tpu.assume_multiple %add3A_474, 2 : i32
        %dma_wait3A_476 = arith.constant 0 : i32
        %dma_wait3A_477 = tpu.memref_slice %arg3[%multiple_of3A_475, %dma_wait3A_476] : memref<16384x2048xf32, #tpu.memory_space<hbm>> -> memref<2x2048xf32, #tpu.memory_space<hbm>>
        %dma_wait3A_478 = arith.constant 0 : i32
        %dma_wait3A_479 = tpu.memref_slice %arg3[%multiple_of3A_475, %dma_wait3A_478] : memref<16384x2048xf32, #tpu.memory_space<hbm>> -> memref<2x2048xf32, #tpu.memory_space<hbm>>
        tpu.wait_dma2 semaphore(%arg31 : memref<!tpu.dma_semaphore, #tpu.memory_space<semaphore_mem>>) src(%arg15 : memref<2x2048xf32, #tpu.memory_space<vmem>>) dst(%dma_wait3A_479 : memref<2x2048xf32, #tpu.memory_space<hbm>>)
      } else {
      }
      %iota3A_261 = tpu.iota {dimensions = array<i32: 0>} : vector<16xi32>
      %eq3A_262 = arith.constant 0 : i32
      %eq3A_263 = vector.broadcast %eq3A_262 : i32 to vector<16xi32>
      %eq3A_264 = arith.cmpi eq, %iota3A_261, %eq3A_263 : vector<16xi32>
      %jit3A_265 = arith.constant 1.000000e+00 : f32
      %jit3A_266 = arith.constant 0.000000e+00 : f32
      %broadcast_in_dim3A_267 = vector.broadcast %jit3A_265 : f32 to vector<16xf32>
      %broadcast_in_dim3A_268 = vector.broadcast %jit3A_266 : f32 to vector<16xf32>
      %select_n3A_269 = arith.select %eq3A_264, %broadcast_in_dim3A_267, %broadcast_in_dim3A_268 : vector<16xi1>, vector<16xf32>
      %parallel_loop3A_270 = arith.constant 0 : i32
      %parallel_loop3A_271 = arith.constant 128 : i32
      %parallel_loop3A_272 = arith.constant 1 : i32
      scf.for %parallel_loop3A_471 = %parallel_loop3A_270 to %parallel_loop3A_271 step %parallel_loop3A_272  : i32 {
        %parallel_loop3A_472 = arith.constant 16 : i32
        %parallel_loop3A_473 = arith.muli %parallel_loop3A_471, %parallel_loop3A_472 : i32
        %parallel_loop3A_474 = tpu.assume_multiple %parallel_loop3A_473, 16 : i32
        %parallel_loop3A_475 = arith.constant 0 : i32
        %parallel_loop3A_476 = arith.index_cast %parallel_loop3A_475 : i32 to index
        %parallel_loop3A_477 = arith.index_cast %parallel_loop3A_474 : i32 to index
        %parallel_loop3A_478 = tpu.vector_load %arg7[%parallel_loop3A_476, %parallel_loop3A_477] {strides = array<i32>} : memref<2x2048xf32, #tpu.memory_space<vmem>>, vector<16xf32>,
        %parallel_loop3A_479 = arith.mulf %parallel_loop3A_478, %select_n3A_269 : vector<16xf32>
        %parallel_loop3A_480 = arith.constant 0 : i32
        %parallel_loop3A_481 = arith.index_cast %parallel_loop3A_480 : i32 to index
        %parallel_loop3A_482 = arith.index_cast %parallel_loop3A_474 : i32 to index
        %parallel_loop3A_483 = tpu.vector_load %arg15[%parallel_loop3A_481, %parallel_loop3A_482] {strides = array<i32>} : memref<2x2048xf32, #tpu.memory_space<vmem>>, vector<16xf32>,
        tpu.vector_store %arg15[%parallel_loop3A_481, %parallel_loop3A_482], %parallel_loop3A_479 {strides = array<i32>} : memref<2x2048xf32, #tpu.memory_space<vmem>>, vector<16xf32>,
      } {sc.loop_unroll_factor = 8 : i64, sc.parallel_access}
      %parallel_loop3A_273 = arith.constant 0 : i32
      %parallel_loop3A_274 = arith.constant 128 : i32
      %parallel_loop3A_275 = arith.constant 1 : i32
      scf.for %parallel_loop3A_471 = %parallel_loop3A_273 to %parallel_loop3A_274 step %parallel_loop3A_275  : i32 {
        %parallel_loop3A_472 = arith.constant 16 : i32
        %parallel_loop3A_473 = arith.muli %parallel_loop3A_471, %parallel_loop3A_472 : i32
        %parallel_loop3A_474 = tpu.assume_multiple %parallel_loop3A_473, 16 : i32
        %parallel_loop3A_475 = arith.constant 1 : i32
        %parallel_loop3A_476 = arith.index_cast %parallel_loop3A_475 : i32 to index
        %parallel_loop3A_477 = arith.index_cast %parallel_loop3A_474 : i32 to index
        %parallel_loop3A_478 = tpu.vector_load %arg7[%parallel_loop3A_476, %parallel_loop3A_477] {strides = array<i32>} : memref<2x2048xf32, #tpu.memory_space<vmem>>, vector<16xf32>,
        %parallel_loop3A_479 = arith.mulf %parallel_loop3A_478, %select_n3A_269 : vector<16xf32>
        %parallel_loop3A_480 = arith.constant 1 : i32
        %parallel_loop3A_481 = arith.index_cast %parallel_loop3A_480 : i32 to index
        %parallel_loop3A_482 = arith.index_cast %parallel_loop3A_474 : i32 to index
        %parallel_loop3A_483 = tpu.vector_load %arg15[%parallel_loop3A_481, %parallel_loop3A_482] {strides = array<i32>} : memref<2x2048xf32, #tpu.memory_space<vmem>>, vector<16xf32>,
        tpu.vector_store %arg15[%parallel_loop3A_481, %parallel_loop3A_482], %parallel_loop3A_479 {strides = array<i32>} : memref<2x2048xf32, #tpu.memory_space<vmem>>, vector<16xf32>,
      } {sc.loop_unroll_factor = 8 : i64, sc.parallel_access}
      %mul3A_276 = arith.constant 2 : i32
      %mul3A_277 = arith.muli %add3A_247, %mul3A_276 : i32
      %add3A_278 = arith.addi %mul3A_2, %mul3A_277 : i32
      %multiple_of3A_279 = tpu.assume_multiple %add3A_278, 2 : i32
      %dma_start3A_280 = arith.constant 0 : i32
      %dma_start3A_281 = tpu.memref_slice %arg3[%multiple_of3A_279, %dma_start3A_280] : memref<16384x2048xf32, #tpu.memory_space<hbm>> -> memref<2x2048xf32, #tpu.memory_space<hbm>>
      %dma_start3A_282 = arith.constant 0 : i32
      %dma_start3A_283 = tpu.memref_slice %arg3[%multiple_of3A_279, %dma_start3A_282] : memref<16384x2048xf32, #tpu.memory_space<hbm>> -> memref<2x2048xf32, #tpu.memory_space<hbm>>
      tpu.enqueue_dma source(%arg15 : memref<2x2048xf32, #tpu.memory_space<vmem>>) target(%dma_start3A_283 : memref<2x2048xf32, #tpu.memory_space<hbm>>) target_semaphore(%arg31 : memref<!tpu.dma_semaphore, #tpu.memory_space<semaphore_mem>>)
      %add3A_284 = arith.constant 8 : i32
      %add3A_285 = arith.addi %add3A_247, %add3A_284 : i32
      %lt3A_286 = arith.constant 256 : i32
      %lt3A_287 = arith.cmpi slt, %add3A_285, %lt3A_286 : i32
      %convert_element_type3A_288 = arith.extui %lt3A_287 : i1 to i32
      %cond3A_289 = arith.constant 0 : i32
      %cond3A_290 = arith.cmpi ne, %convert_element_type3A_288, %cond3A_289 : i32
      scf.if %cond3A_290 {
        %add3A_471 = arith.constant 8 : i32
        %add3A_472 = arith.addi %add3A_247, %add3A_471 : i32
        %mul3A_473 = arith.constant 2 : i32
        %mul3A_474 = arith.muli %add3A_472, %mul3A_473 : i32
        %add3A_475 = arith.addi %mul3A_2, %mul3A_474 : i32
        %multiple_of3A_476 = tpu.assume_multiple %add3A_475, 2 : i32
        %dma_start3A_477 = arith.constant 0 : i32
        %dma_start3A_478 = tpu.memref_slice %arg2[%multiple_of3A_476, %dma_start3A_477] : memref<16384x2048xf32, #tpu.memory_space<hbm>> -> memref<2x2048xf32, #tpu.memory_space<hbm>>
        %dma_start3A_479 = arith.constant 0 : i32
        %dma_start3A_480 = tpu.memref_slice %arg2[%multiple_of3A_476, %dma_start3A_479] : memref<16384x2048xf32, #tpu.memory_space<hbm>> -> memref<2x2048xf32, #tpu.memory_space<hbm>>
        tpu.enqueue_dma source(%dma_start3A_480 : memref<2x2048xf32, #tpu.memory_space<hbm>>) target(%arg7 : memref<2x2048xf32, #tpu.memory_space<vmem>>) target_semaphore(%arg23 : memref<!tpu.dma_semaphore, #tpu.memory_space<semaphore_mem>>)
      } else {
      }
      %add3A_291 = arith.constant 4 : i32
      %add3A_292 = arith.addi %add3A_120, %add3A_291 : i32
      %mul3A_293 = arith.constant 2 : i32
      %mul3A_294 = arith.muli %add3A_292, %mul3A_293 : i32
      %add3A_295 = arith.addi %mul3A_2, %mul3A_294 : i32
      %multiple_of3A_296 = tpu.assume_multiple %add3A_295, 2 : i32
      %dma_wait3A_297 = arith.constant 0 : i32
      %dma_wait3A_298 = tpu.memref_slice %arg2[%multiple_of3A_296, %dma_wait3A_297] : memref<16384x2048xf32, #tpu.memory_space<hbm>> -> memref<2x2048xf32, #tpu.memory_space<hbm>>
      %dma_wait3A_299 = arith.constant 0 : i32
      %dma_wait3A_300 = tpu.memref_slice %arg2[%multiple_of3A_296, %dma_wait3A_299] : memref<16384x2048xf32, #tpu.memory_space<hbm>> -> memref<2x2048xf32, #tpu.memory_space<hbm>>
      tpu.wait_dma2 semaphore(%arg24 : memref<!tpu.dma_semaphore, #tpu.memory_space<semaphore_mem>>) src(%dma_wait3A_300 : memref<2x2048xf32, #tpu.memory_space<hbm>>) dst(%arg8 : memref<2x2048xf32, #tpu.memory_space<vmem>>)
      %ge3A_301 = arith.constant 8 : i32
      %ge3A_302 = arith.cmpi sge, %add3A_292, %ge3A_301 : i32
      %convert_element_type3A_303 = arith.extui %ge3A_302 : i1 to i32
      %cond3A_304 = arith.constant 0 : i32
      %cond3A_305 = arith.cmpi ne, %convert_element_type3A_303, %cond3A_304 : i32
      scf.if %cond3A_305 {
        %sub3A = arith.constant 8 : i32
        %sub3A_471 = arith.subi %add3A_292, %sub3A : i32
        %mul3A_472 = arith.constant 2 : i32
        %mul3A_473 = arith.muli %sub3A_471, %mul3A_472 : i32
        %add3A_474 = arith.addi %mul3A_2, %mul3A_473 : i32
        %multiple_of3A_475 = tpu.assume_multiple %add3A_474, 2 : i32
        %dma_wait3A_476 = arith.constant 0 : i32
        %dma_wait3A_477 = tpu.memref_slice %arg3[%multiple_of3A_475, %dma_wait3A_476] : memref<16384x2048xf32, #tpu.memory_space<hbm>> -> memref<2x2048xf32, #tpu.memory_space<hbm>>
        %dma_wait3A_478 = arith.constant 0 : i32
        %dma_wait3A_479 = tpu.memref_slice %arg3[%multiple_of3A_475, %dma_wait3A_478] : memref<16384x2048xf32, #tpu.memory_space<hbm>> -> memref<2x2048xf32, #tpu.memory_space<hbm>>
        tpu.wait_dma2 semaphore(%arg32 : memref<!tpu.dma_semaphore, #tpu.memory_space<semaphore_mem>>) src(%arg16 : memref<2x2048xf32, #tpu.memory_space<vmem>>) dst(%dma_wait3A_479 : memref<2x2048xf32, #tpu.memory_space<hbm>>)
      } else {
      }
      %iota3A_306 = tpu.iota {dimensions = array<i32: 0>} : vector<16xi32>
      %eq3A_307 = arith.constant 0 : i32
      %eq3A_308 = vector.broadcast %eq3A_307 : i32 to vector<16xi32>
      %eq3A_309 = arith.cmpi eq, %iota3A_306, %eq3A_308 : vector<16xi32>
      %jit3A_310 = arith.constant 1.000000e+00 : f32
      %jit3A_311 = arith.constant 0.000000e+00 : f32
      %broadcast_in_dim3A_312 = vector.broadcast %jit3A_310 : f32 to vector<16xf32>
      %broadcast_in_dim3A_313 = vector.broadcast %jit3A_311 : f32 to vector<16xf32>
      %select_n3A_314 = arith.select %eq3A_309, %broadcast_in_dim3A_312, %broadcast_in_dim3A_313 : vector<16xi1>, vector<16xf32>
      %parallel_loop3A_315 = arith.constant 0 : i32
      %parallel_loop3A_316 = arith.constant 128 : i32
      %parallel_loop3A_317 = arith.constant 1 : i32
      scf.for %parallel_loop3A_471 = %parallel_loop3A_315 to %parallel_loop3A_316 step %parallel_loop3A_317  : i32 {
        %parallel_loop3A_472 = arith.constant 16 : i32
        %parallel_loop3A_473 = arith.muli %parallel_loop3A_471, %parallel_loop3A_472 : i32
        %parallel_loop3A_474 = tpu.assume_multiple %parallel_loop3A_473, 16 : i32
        %parallel_loop3A_475 = arith.constant 0 : i32
        %parallel_loop3A_476 = arith.index_cast %parallel_loop3A_475 : i32 to index
        %parallel_loop3A_477 = arith.index_cast %parallel_loop3A_474 : i32 to index
        %parallel_loop3A_478 = tpu.vector_load %arg8[%parallel_loop3A_476, %parallel_loop3A_477] {strides = array<i32>} : memref<2x2048xf32, #tpu.memory_space<vmem>>, vector<16xf32>,
        %parallel_loop3A_479 = arith.mulf %parallel_loop3A_478, %select_n3A_314 : vector<16xf32>
        %parallel_loop3A_480 = arith.constant 0 : i32
        %parallel_loop3A_481 = arith.index_cast %parallel_loop3A_480 : i32 to index
        %parallel_loop3A_482 = arith.index_cast %parallel_loop3A_474 : i32 to index
        %parallel_loop3A_483 = tpu.vector_load %arg16[%parallel_loop3A_481, %parallel_loop3A_482] {strides = array<i32>} : memref<2x2048xf32, #tpu.memory_space<vmem>>, vector<16xf32>,
        tpu.vector_store %arg16[%parallel_loop3A_481, %parallel_loop3A_482], %parallel_loop3A_479 {strides = array<i32>} : memref<2x2048xf32, #tpu.memory_space<vmem>>, vector<16xf32>,
      } {sc.loop_unroll_factor = 8 : i64, sc.parallel_access}
      %parallel_loop3A_318 = arith.constant 0 : i32
      %parallel_loop3A_319 = arith.constant 128 : i32
      %parallel_loop3A_320 = arith.constant 1 : i32
      scf.for %parallel_loop3A_471 = %parallel_loop3A_318 to %parallel_loop3A_319 step %parallel_loop3A_320  : i32 {
        %parallel_loop3A_472 = arith.constant 16 : i32
        %parallel_loop3A_473 = arith.muli %parallel_loop3A_471, %parallel_loop3A_472 : i32
        %parallel_loop3A_474 = tpu.assume_multiple %parallel_loop3A_473, 16 : i32
        %parallel_loop3A_475 = arith.constant 1 : i32
        %parallel_loop3A_476 = arith.index_cast %parallel_loop3A_475 : i32 to index
        %parallel_loop3A_477 = arith.index_cast %parallel_loop3A_474 : i32 to index
        %parallel_loop3A_478 = tpu.vector_load %arg8[%parallel_loop3A_476, %parallel_loop3A_477] {strides = array<i32>} : memref<2x2048xf32, #tpu.memory_space<vmem>>, vector<16xf32>,
        %parallel_loop3A_479 = arith.mulf %parallel_loop3A_478, %select_n3A_314 : vector<16xf32>
        %parallel_loop3A_480 = arith.constant 1 : i32
        %parallel_loop3A_481 = arith.index_cast %parallel_loop3A_480 : i32 to index
        %parallel_loop3A_482 = arith.index_cast %parallel_loop3A_474 : i32 to index
        %parallel_loop3A_483 = tpu.vector_load %arg16[%parallel_loop3A_481, %parallel_loop3A_482] {strides = array<i32>} : memref<2x2048xf32, #tpu.memory_space<vmem>>, vector<16xf32>,
        tpu.vector_store %arg16[%parallel_loop3A_481, %parallel_loop3A_482], %parallel_loop3A_479 {strides = array<i32>} : memref<2x2048xf32, #tpu.memory_space<vmem>>, vector<16xf32>,
      } {sc.loop_unroll_factor = 8 : i64, sc.parallel_access}
      %mul3A_321 = arith.constant 2 : i32
      %mul3A_322 = arith.muli %add3A_292, %mul3A_321 : i32
      %add3A_323 = arith.addi %mul3A_2, %mul3A_322 : i32
      %multiple_of3A_324 = tpu.assume_multiple %add3A_323, 2 : i32
      %dma_start3A_325 = arith.constant 0 : i32
      %dma_start3A_326 = tpu.memref_slice %arg3[%multiple_of3A_324, %dma_start3A_325] : memref<16384x2048xf32, #tpu.memory_space<hbm>> -> memref<2x2048xf32, #tpu.memory_space<hbm>>
      %dma_start3A_327 = arith.constant 0 : i32
      %dma_start3A_328 = tpu.memref_slice %arg3[%multiple_of3A_324, %dma_start3A_327] : memref<16384x2048xf32, #tpu.memory_space<hbm>> -> memref<2x2048xf32, #tpu.memory_space<hbm>>
      tpu.enqueue_dma source(%arg16 : memref<2x2048xf32, #tpu.memory_space<vmem>>) target(%dma_start3A_328 : memref<2x2048xf32, #tpu.memory_space<hbm>>) target_semaphore(%arg32 : memref<!tpu.dma_semaphore, #tpu.memory_space<semaphore_mem>>)
      %add3A_329 = arith.constant 8 : i32
      %add3A_330 = arith.addi %add3A_292, %add3A_329 : i32
      %lt3A_331 = arith.constant 256 : i32
      %lt3A_332 = arith.cmpi slt, %add3A_330, %lt3A_331 : i32
      %convert_element_type3A_333 = arith.extui %lt3A_332 : i1 to i32
      %cond3A_334 = arith.constant 0 : i32
      %cond3A_335 = arith.cmpi ne, %convert_element_type3A_333, %cond3A_334 : i32
      scf.if %cond3A_335 {
        %add3A_471 = arith.constant 8 : i32
        %add3A_472 = arith.addi %add3A_292, %add3A_471 : i32
        %mul3A_473 = arith.constant 2 : i32
        %mul3A_474 = arith.muli %add3A_472, %mul3A_473 : i32
        %add3A_475 = arith.addi %mul3A_2, %mul3A_474 : i32
        %multiple_of3A_476 = tpu.assume_multiple %add3A_475, 2 : i32
        %dma_start3A_477 = arith.constant 0 : i32
        %dma_start3A_478 = tpu.memref_slice %arg2[%multiple_of3A_476, %dma_start3A_477] : memref<16384x2048xf32, #tpu.memory_space<hbm>> -> memref<2x2048xf32, #tpu.memory_space<hbm>>
        %dma_start3A_479 = arith.constant 0 : i32
        %dma_start3A_480 = tpu.memref_slice %arg2[%multiple_of3A_476, %dma_start3A_479] : memref<16384x2048xf32, #tpu.memory_space<hbm>> -> memref<2x2048xf32, #tpu.memory_space<hbm>>
        tpu.enqueue_dma source(%dma_start3A_480 : memref<2x2048xf32, #tpu.memory_space<hbm>>) target(%arg8 : memref<2x2048xf32, #tpu.memory_space<vmem>>) target_semaphore(%arg24 : memref<!tpu.dma_semaphore, #tpu.memory_space<semaphore_mem>>)
      } else {
      }
      %add3A_336 = arith.constant 5 : i32
      %add3A_337 = arith.addi %add3A_120, %add3A_336 : i32
      %mul3A_338 = arith.constant 2 : i32
      %mul3A_339 = arith.muli %add3A_337, %mul3A_338 : i32
      %add3A_340 = arith.addi %mul3A_2, %mul3A_339 : i32
      %multiple_of3A_341 = tpu.assume_multiple %add3A_340, 2 : i32
      %dma_wait3A_342 = arith.constant 0 : i32
      %dma_wait3A_343 = tpu.memref_slice %arg2[%multiple_of3A_341, %dma_wait3A_342] : memref<16384x2048xf32, #tpu.memory_space<hbm>> -> memref<2x2048xf32, #tpu.memory_space<hbm>>
      %dma_wait3A_344 = arith.constant 0 : i32
      %dma_wait3A_345 = tpu.memref_slice %arg2[%multiple_of3A_341, %dma_wait3A_344] : memref<16384x2048xf32, #tpu.memory_space<hbm>> -> memref<2x2048xf32, #tpu.memory_space<hbm>>
      tpu.wait_dma2 semaphore(%arg25 : memref<!tpu.dma_semaphore, #tpu.memory_space<semaphore_mem>>) src(%dma_wait3A_345 : memref<2x2048xf32, #tpu.memory_space<hbm>>) dst(%arg9 : memref<2x2048xf32, #tpu.memory_space<vmem>>)
      %ge3A_346 = arith.constant 8 : i32
      %ge3A_347 = arith.cmpi sge, %add3A_337, %ge3A_346 : i32
      %convert_element_type3A_348 = arith.extui %ge3A_347 : i1 to i32
      %cond3A_349 = arith.constant 0 : i32
      %cond3A_350 = arith.cmpi ne, %convert_element_type3A_348, %cond3A_349 : i32
      scf.if %cond3A_350 {
        %sub3A = arith.constant 8 : i32
        %sub3A_471 = arith.subi %add3A_337, %sub3A : i32
        %mul3A_472 = arith.constant 2 : i32
        %mul3A_473 = arith.muli %sub3A_471, %mul3A_472 : i32
        %add3A_474 = arith.addi %mul3A_2, %mul3A_473 : i32
        %multiple_of3A_475 = tpu.assume_multiple %add3A_474, 2 : i32
        %dma_wait3A_476 = arith.constant 0 : i32
        %dma_wait3A_477 = tpu.memref_slice %arg3[%multiple_of3A_475, %dma_wait3A_476] : memref<16384x2048xf32, #tpu.memory_space<hbm>> -> memref<2x2048xf32, #tpu.memory_space<hbm>>
        %dma_wait3A_478 = arith.constant 0 : i32
        %dma_wait3A_479 = tpu.memref_slice %arg3[%multiple_of3A_475, %dma_wait3A_478] : memref<16384x2048xf32, #tpu.memory_space<hbm>> -> memref<2x2048xf32, #tpu.memory_space<hbm>>
        tpu.wait_dma2 semaphore(%arg33 : memref<!tpu.dma_semaphore, #tpu.memory_space<semaphore_mem>>) src(%arg17 : memref<2x2048xf32, #tpu.memory_space<vmem>>) dst(%dma_wait3A_479 : memref<2x2048xf32, #tpu.memory_space<hbm>>)
      } else {
      }
      %iota3A_351 = tpu.iota {dimensions = array<i32: 0>} : vector<16xi32>
      %eq3A_352 = arith.constant 0 : i32
      %eq3A_353 = vector.broadcast %eq3A_352 : i32 to vector<16xi32>
      %eq3A_354 = arith.cmpi eq, %iota3A_351, %eq3A_353 : vector<16xi32>
      %jit3A_355 = arith.constant 1.000000e+00 : f32
      %jit3A_356 = arith.constant 0.000000e+00 : f32
      %broadcast_in_dim3A_357 = vector.broadcast %jit3A_355 : f32 to vector<16xf32>
      %broadcast_in_dim3A_358 = vector.broadcast %jit3A_356 : f32 to vector<16xf32>
      %select_n3A_359 = arith.select %eq3A_354, %broadcast_in_dim3A_357, %broadcast_in_dim3A_358 : vector<16xi1>, vector<16xf32>
      %parallel_loop3A_360 = arith.constant 0 : i32
      %parallel_loop3A_361 = arith.constant 128 : i32
      %parallel_loop3A_362 = arith.constant 1 : i32
      scf.for %parallel_loop3A_471 = %parallel_loop3A_360 to %parallel_loop3A_361 step %parallel_loop3A_362  : i32 {
        %parallel_loop3A_472 = arith.constant 16 : i32
        %parallel_loop3A_473 = arith.muli %parallel_loop3A_471, %parallel_loop3A_472 : i32
        %parallel_loop3A_474 = tpu.assume_multiple %parallel_loop3A_473, 16 : i32
        %parallel_loop3A_475 = arith.constant 0 : i32
        %parallel_loop3A_476 = arith.index_cast %parallel_loop3A_475 : i32 to index
        %parallel_loop3A_477 = arith.index_cast %parallel_loop3A_474 : i32 to index
        %parallel_loop3A_478 = tpu.vector_load %arg9[%parallel_loop3A_476, %parallel_loop3A_477] {strides = array<i32>} : memref<2x2048xf32, #tpu.memory_space<vmem>>, vector<16xf32>,
        %parallel_loop3A_479 = arith.mulf %parallel_loop3A_478, %select_n3A_359 : vector<16xf32>
        %parallel_loop3A_480 = arith.constant 0 : i32
        %parallel_loop3A_481 = arith.index_cast %parallel_loop3A_480 : i32 to index
        %parallel_loop3A_482 = arith.index_cast %parallel_loop3A_474 : i32 to index
        %parallel_loop3A_483 = tpu.vector_load %arg17[%parallel_loop3A_481, %parallel_loop3A_482] {strides = array<i32>} : memref<2x2048xf32, #tpu.memory_space<vmem>>, vector<16xf32>,
        tpu.vector_store %arg17[%parallel_loop3A_481, %parallel_loop3A_482], %parallel_loop3A_479 {strides = array<i32>} : memref<2x2048xf32, #tpu.memory_space<vmem>>, vector<16xf32>,
      } {sc.loop_unroll_factor = 8 : i64, sc.parallel_access}
      %parallel_loop3A_363 = arith.constant 0 : i32
      %parallel_loop3A_364 = arith.constant 128 : i32
      %parallel_loop3A_365 = arith.constant 1 : i32
      scf.for %parallel_loop3A_471 = %parallel_loop3A_363 to %parallel_loop3A_364 step %parallel_loop3A_365  : i32 {
        %parallel_loop3A_472 = arith.constant 16 : i32
        %parallel_loop3A_473 = arith.muli %parallel_loop3A_471, %parallel_loop3A_472 : i32
        %parallel_loop3A_474 = tpu.assume_multiple %parallel_loop3A_473, 16 : i32
        %parallel_loop3A_475 = arith.constant 1 : i32
        %parallel_loop3A_476 = arith.index_cast %parallel_loop3A_475 : i32 to index
        %parallel_loop3A_477 = arith.index_cast %parallel_loop3A_474 : i32 to index
        %parallel_loop3A_478 = tpu.vector_load %arg9[%parallel_loop3A_476, %parallel_loop3A_477] {strides = array<i32>} : memref<2x2048xf32, #tpu.memory_space<vmem>>, vector<16xf32>,
        %parallel_loop3A_479 = arith.mulf %parallel_loop3A_478, %select_n3A_359 : vector<16xf32>
        %parallel_loop3A_480 = arith.constant 1 : i32
        %parallel_loop3A_481 = arith.index_cast %parallel_loop3A_480 : i32 to index
        %parallel_loop3A_482 = arith.index_cast %parallel_loop3A_474 : i32 to index
        %parallel_loop3A_483 = tpu.vector_load %arg17[%parallel_loop3A_481, %parallel_loop3A_482] {strides = array<i32>} : memref<2x2048xf32, #tpu.memory_space<vmem>>, vector<16xf32>,
        tpu.vector_store %arg17[%parallel_loop3A_481, %parallel_loop3A_482], %parallel_loop3A_479 {strides = array<i32>} : memref<2x2048xf32, #tpu.memory_space<vmem>>, vector<16xf32>,
      } {sc.loop_unroll_factor = 8 : i64, sc.parallel_access}
      %mul3A_366 = arith.constant 2 : i32
      %mul3A_367 = arith.muli %add3A_337, %mul3A_366 : i32
      %add3A_368 = arith.addi %mul3A_2, %mul3A_367 : i32
      %multiple_of3A_369 = tpu.assume_multiple %add3A_368, 2 : i32
      %dma_start3A_370 = arith.constant 0 : i32
      %dma_start3A_371 = tpu.memref_slice %arg3[%multiple_of3A_369, %dma_start3A_370] : memref<16384x2048xf32, #tpu.memory_space<hbm>> -> memref<2x2048xf32, #tpu.memory_space<hbm>>
      %dma_start3A_372 = arith.constant 0 : i32
      %dma_start3A_373 = tpu.memref_slice %arg3[%multiple_of3A_369, %dma_start3A_372] : memref<16384x2048xf32, #tpu.memory_space<hbm>> -> memref<2x2048xf32, #tpu.memory_space<hbm>>
      tpu.enqueue_dma source(%arg17 : memref<2x2048xf32, #tpu.memory_space<vmem>>) target(%dma_start3A_373 : memref<2x2048xf32, #tpu.memory_space<hbm>>) target_semaphore(%arg33 : memref<!tpu.dma_semaphore, #tpu.memory_space<semaphore_mem>>)
      %add3A_374 = arith.constant 8 : i32
      %add3A_375 = arith.addi %add3A_337, %add3A_374 : i32
      %lt3A_376 = arith.constant 256 : i32
      %lt3A_377 = arith.cmpi slt, %add3A_375, %lt3A_376 : i32
      %convert_element_type3A_378 = arith.extui %lt3A_377 : i1 to i32
      %cond3A_379 = arith.constant 0 : i32
      %cond3A_380 = arith.cmpi ne, %convert_element_type3A_378, %cond3A_379 : i32
      scf.if %cond3A_380 {
        %add3A_471 = arith.constant 8 : i32
        %add3A_472 = arith.addi %add3A_337, %add3A_471 : i32
        %mul3A_473 = arith.constant 2 : i32
        %mul3A_474 = arith.muli %add3A_472, %mul3A_473 : i32
        %add3A_475 = arith.addi %mul3A_2, %mul3A_474 : i32
        %multiple_of3A_476 = tpu.assume_multiple %add3A_475, 2 : i32
        %dma_start3A_477 = arith.constant 0 : i32
        %dma_start3A_478 = tpu.memref_slice %arg2[%multiple_of3A_476, %dma_start3A_477] : memref<16384x2048xf32, #tpu.memory_space<hbm>> -> memref<2x2048xf32, #tpu.memory_space<hbm>>
        %dma_start3A_479 = arith.constant 0 : i32
        %dma_start3A_480 = tpu.memref_slice %arg2[%multiple_of3A_476, %dma_start3A_479] : memref<16384x2048xf32, #tpu.memory_space<hbm>> -> memref<2x2048xf32, #tpu.memory_space<hbm>>
        tpu.enqueue_dma source(%dma_start3A_480 : memref<2x2048xf32, #tpu.memory_space<hbm>>) target(%arg9 : memref<2x2048xf32, #tpu.memory_space<vmem>>) target_semaphore(%arg25 : memref<!tpu.dma_semaphore, #tpu.memory_space<semaphore_mem>>)
      } else {
      }
      %add3A_381 = arith.constant 6 : i32
      %add3A_382 = arith.addi %add3A_120, %add3A_381 : i32
      %mul3A_383 = arith.constant 2 : i32
      %mul3A_384 = arith.muli %add3A_382, %mul3A_383 : i32
      %add3A_385 = arith.addi %mul3A_2, %mul3A_384 : i32
      %multiple_of3A_386 = tpu.assume_multiple %add3A_385, 2 : i32
      %dma_wait3A_387 = arith.constant 0 : i32
      %dma_wait3A_388 = tpu.memref_slice %arg2[%multiple_of3A_386, %dma_wait3A_387] : memref<16384x2048xf32, #tpu.memory_space<hbm>> -> memref<2x2048xf32, #tpu.memory_space<hbm>>
      %dma_wait3A_389 = arith.constant 0 : i32
      %dma_wait3A_390 = tpu.memref_slice %arg2[%multiple_of3A_386, %dma_wait3A_389] : memref<16384x2048xf32, #tpu.memory_space<hbm>> -> memref<2x2048xf32, #tpu.memory_space<hbm>>
      tpu.wait_dma2 semaphore(%arg26 : memref<!tpu.dma_semaphore, #tpu.memory_space<semaphore_mem>>) src(%dma_wait3A_390 : memref<2x2048xf32, #tpu.memory_space<hbm>>) dst(%arg10 : memref<2x2048xf32, #tpu.memory_space<vmem>>)
      %ge3A_391 = arith.constant 8 : i32
      %ge3A_392 = arith.cmpi sge, %add3A_382, %ge3A_391 : i32
      %convert_element_type3A_393 = arith.extui %ge3A_392 : i1 to i32
      %cond3A_394 = arith.constant 0 : i32
      %cond3A_395 = arith.cmpi ne, %convert_element_type3A_393, %cond3A_394 : i32
      scf.if %cond3A_395 {
        %sub3A = arith.constant 8 : i32
        %sub3A_471 = arith.subi %add3A_382, %sub3A : i32
        %mul3A_472 = arith.constant 2 : i32
        %mul3A_473 = arith.muli %sub3A_471, %mul3A_472 : i32
        %add3A_474 = arith.addi %mul3A_2, %mul3A_473 : i32
        %multiple_of3A_475 = tpu.assume_multiple %add3A_474, 2 : i32
        %dma_wait3A_476 = arith.constant 0 : i32
        %dma_wait3A_477 = tpu.memref_slice %arg3[%multiple_of3A_475, %dma_wait3A_476] : memref<16384x2048xf32, #tpu.memory_space<hbm>> -> memref<2x2048xf32, #tpu.memory_space<hbm>>
        %dma_wait3A_478 = arith.constant 0 : i32
        %dma_wait3A_479 = tpu.memref_slice %arg3[%multiple_of3A_475, %dma_wait3A_478] : memref<16384x2048xf32, #tpu.memory_space<hbm>> -> memref<2x2048xf32, #tpu.memory_space<hbm>>
        tpu.wait_dma2 semaphore(%arg34 : memref<!tpu.dma_semaphore, #tpu.memory_space<semaphore_mem>>) src(%arg18 : memref<2x2048xf32, #tpu.memory_space<vmem>>) dst(%dma_wait3A_479 : memref<2x2048xf32, #tpu.memory_space<hbm>>)
      } else {
      }
      %iota3A_396 = tpu.iota {dimensions = array<i32: 0>} : vector<16xi32>
      %eq3A_397 = arith.constant 0 : i32
      %eq3A_398 = vector.broadcast %eq3A_397 : i32 to vector<16xi32>
      %eq3A_399 = arith.cmpi eq, %iota3A_396, %eq3A_398 : vector<16xi32>
      %jit3A_400 = arith.constant 1.000000e+00 : f32
      %jit3A_401 = arith.constant 0.000000e+00 : f32
      %broadcast_in_dim3A_402 = vector.broadcast %jit3A_400 : f32 to vector<16xf32>
      %broadcast_in_dim3A_403 = vector.broadcast %jit3A_401 : f32 to vector<16xf32>
      %select_n3A_404 = arith.select %eq3A_399, %broadcast_in_dim3A_402, %broadcast_in_dim3A_403 : vector<16xi1>, vector<16xf32>
      %parallel_loop3A_405 = arith.constant 0 : i32
      %parallel_loop3A_406 = arith.constant 128 : i32
      %parallel_loop3A_407 = arith.constant 1 : i32
      scf.for %parallel_loop3A_471 = %parallel_loop3A_405 to %parallel_loop3A_406 step %parallel_loop3A_407  : i32 {
        %parallel_loop3A_472 = arith.constant 16 : i32
        %parallel_loop3A_473 = arith.muli %parallel_loop3A_471, %parallel_loop3A_472 : i32
        %parallel_loop3A_474 = tpu.assume_multiple %parallel_loop3A_473, 16 : i32
        %parallel_loop3A_475 = arith.constant 0 : i32
        %parallel_loop3A_476 = arith.index_cast %parallel_loop3A_475 : i32 to index
        %parallel_loop3A_477 = arith.index_cast %parallel_loop3A_474 : i32 to index
        %parallel_loop3A_478 = tpu.vector_load %arg10[%parallel_loop3A_476, %parallel_loop3A_477] {strides = array<i32>} : memref<2x2048xf32, #tpu.memory_space<vmem>>, vector<16xf32>,
        %parallel_loop3A_479 = arith.mulf %parallel_loop3A_478, %select_n3A_404 : vector<16xf32>
        %parallel_loop3A_480 = arith.constant 0 : i32
        %parallel_loop3A_481 = arith.index_cast %parallel_loop3A_480 : i32 to index
        %parallel_loop3A_482 = arith.index_cast %parallel_loop3A_474 : i32 to index
        %parallel_loop3A_483 = tpu.vector_load %arg18[%parallel_loop3A_481, %parallel_loop3A_482] {strides = array<i32>} : memref<2x2048xf32, #tpu.memory_space<vmem>>, vector<16xf32>,
        tpu.vector_store %arg18[%parallel_loop3A_481, %parallel_loop3A_482], %parallel_loop3A_479 {strides = array<i32>} : memref<2x2048xf32, #tpu.memory_space<vmem>>, vector<16xf32>,
      } {sc.loop_unroll_factor = 8 : i64, sc.parallel_access}
      %parallel_loop3A_408 = arith.constant 0 : i32
      %parallel_loop3A_409 = arith.constant 128 : i32
      %parallel_loop3A_410 = arith.constant 1 : i32
      scf.for %parallel_loop3A_471 = %parallel_loop3A_408 to %parallel_loop3A_409 step %parallel_loop3A_410  : i32 {
        %parallel_loop3A_472 = arith.constant 16 : i32
        %parallel_loop3A_473 = arith.muli %parallel_loop3A_471, %parallel_loop3A_472 : i32
        %parallel_loop3A_474 = tpu.assume_multiple %parallel_loop3A_473, 16 : i32
        %parallel_loop3A_475 = arith.constant 1 : i32
        %parallel_loop3A_476 = arith.index_cast %parallel_loop3A_475 : i32 to index
        %parallel_loop3A_477 = arith.index_cast %parallel_loop3A_474 : i32 to index
        %parallel_loop3A_478 = tpu.vector_load %arg10[%parallel_loop3A_476, %parallel_loop3A_477] {strides = array<i32>} : memref<2x2048xf32, #tpu.memory_space<vmem>>, vector<16xf32>,
        %parallel_loop3A_479 = arith.mulf %parallel_loop3A_478, %select_n3A_404 : vector<16xf32>
        %parallel_loop3A_480 = arith.constant 1 : i32
        %parallel_loop3A_481 = arith.index_cast %parallel_loop3A_480 : i32 to index
        %parallel_loop3A_482 = arith.index_cast %parallel_loop3A_474 : i32 to index
        %parallel_loop3A_483 = tpu.vector_load %arg18[%parallel_loop3A_481, %parallel_loop3A_482] {strides = array<i32>} : memref<2x2048xf32, #tpu.memory_space<vmem>>, vector<16xf32>,
        tpu.vector_store %arg18[%parallel_loop3A_481, %parallel_loop3A_482], %parallel_loop3A_479 {strides = array<i32>} : memref<2x2048xf32, #tpu.memory_space<vmem>>, vector<16xf32>,
      } {sc.loop_unroll_factor = 8 : i64, sc.parallel_access}
      %mul3A_411 = arith.constant 2 : i32
      %mul3A_412 = arith.muli %add3A_382, %mul3A_411 : i32
      %add3A_413 = arith.addi %mul3A_2, %mul3A_412 : i32
      %multiple_of3A_414 = tpu.assume_multiple %add3A_413, 2 : i32
      %dma_start3A_415 = arith.constant 0 : i32
      %dma_start3A_416 = tpu.memref_slice %arg3[%multiple_of3A_414, %dma_start3A_415] : memref<16384x2048xf32, #tpu.memory_space<hbm>> -> memref<2x2048xf32, #tpu.memory_space<hbm>>
      %dma_start3A_417 = arith.constant 0 : i32
      %dma_start3A_418 = tpu.memref_slice %arg3[%multiple_of3A_414, %dma_start3A_417] : memref<16384x2048xf32, #tpu.memory_space<hbm>> -> memref<2x2048xf32, #tpu.memory_space<hbm>>
      tpu.enqueue_dma source(%arg18 : memref<2x2048xf32, #tpu.memory_space<vmem>>) target(%dma_start3A_418 : memref<2x2048xf32, #tpu.memory_space<hbm>>) target_semaphore(%arg34 : memref<!tpu.dma_semaphore, #tpu.memory_space<semaphore_mem>>)
      %add3A_419 = arith.constant 8 : i32
      %add3A_420 = arith.addi %add3A_382, %add3A_419 : i32
      %lt3A_421 = arith.constant 256 : i32
      %lt3A_422 = arith.cmpi slt, %add3A_420, %lt3A_421 : i32
      %convert_element_type3A_423 = arith.extui %lt3A_422 : i1 to i32
      %cond3A_424 = arith.constant 0 : i32
      %cond3A_425 = arith.cmpi ne, %convert_element_type3A_423, %cond3A_424 : i32
      scf.if %cond3A_425 {
        %add3A_471 = arith.constant 8 : i32
        %add3A_472 = arith.addi %add3A_382, %add3A_471 : i32
        %mul3A_473 = arith.constant 2 : i32
        %mul3A_474 = arith.muli %add3A_472, %mul3A_473 : i32
        %add3A_475 = arith.addi %mul3A_2, %mul3A_474 : i32
        %multiple_of3A_476 = tpu.assume_multiple %add3A_475, 2 : i32
        %dma_start3A_477 = arith.constant 0 : i32
        %dma_start3A_478 = tpu.memref_slice %arg2[%multiple_of3A_476, %dma_start3A_477] : memref<16384x2048xf32, #tpu.memory_space<hbm>> -> memref<2x2048xf32, #tpu.memory_space<hbm>>
        %dma_start3A_479 = arith.constant 0 : i32
        %dma_start3A_480 = tpu.memref_slice %arg2[%multiple_of3A_476, %dma_start3A_479] : memref<16384x2048xf32, #tpu.memory_space<hbm>> -> memref<2x2048xf32, #tpu.memory_space<hbm>>
        tpu.enqueue_dma source(%dma_start3A_480 : memref<2x2048xf32, #tpu.memory_space<hbm>>) target(%arg10 : memref<2x2048xf32, #tpu.memory_space<vmem>>) target_semaphore(%arg26 : memref<!tpu.dma_semaphore, #tpu.memory_space<semaphore_mem>>)
      } else {
      }
      %add3A_426 = arith.constant 7 : i32
      %add3A_427 = arith.addi %add3A_120, %add3A_426 : i32
      %mul3A_428 = arith.constant 2 : i32
      %mul3A_429 = arith.muli %add3A_427, %mul3A_428 : i32
      %add3A_430 = arith.addi %mul3A_2, %mul3A_429 : i32
      %multiple_of3A_431 = tpu.assume_multiple %add3A_430, 2 : i32
      %dma_wait3A_432 = arith.constant 0 : i32
      %dma_wait3A_433 = tpu.memref_slice %arg2[%multiple_of3A_431, %dma_wait3A_432] : memref<16384x2048xf32, #tpu.memory_space<hbm>> -> memref<2x2048xf32, #tpu.memory_space<hbm>>
      %dma_wait3A_434 = arith.constant 0 : i32
      %dma_wait3A_435 = tpu.memref_slice %arg2[%multiple_of3A_431, %dma_wait3A_434] : memref<16384x2048xf32, #tpu.memory_space<hbm>> -> memref<2x2048xf32, #tpu.memory_space<hbm>>
      tpu.wait_dma2 semaphore(%arg27 : memref<!tpu.dma_semaphore, #tpu.memory_space<semaphore_mem>>) src(%dma_wait3A_435 : memref<2x2048xf32, #tpu.memory_space<hbm>>) dst(%arg11 : memref<2x2048xf32, #tpu.memory_space<vmem>>)
      %ge3A_436 = arith.constant 8 : i32
      %ge3A_437 = arith.cmpi sge, %add3A_427, %ge3A_436 : i32
      %convert_element_type3A_438 = arith.extui %ge3A_437 : i1 to i32
      %cond3A_439 = arith.constant 0 : i32
      %cond3A_440 = arith.cmpi ne, %convert_element_type3A_438, %cond3A_439 : i32
      scf.if %cond3A_440 {
        %sub3A = arith.constant 8 : i32
        %sub3A_471 = arith.subi %add3A_427, %sub3A : i32
        %mul3A_472 = arith.constant 2 : i32
        %mul3A_473 = arith.muli %sub3A_471, %mul3A_472 : i32
        %add3A_474 = arith.addi %mul3A_2, %mul3A_473 : i32
        %multiple_of3A_475 = tpu.assume_multiple %add3A_474, 2 : i32
        %dma_wait3A_476 = arith.constant 0 : i32
        %dma_wait3A_477 = tpu.memref_slice %arg3[%multiple_of3A_475, %dma_wait3A_476] : memref<16384x2048xf32, #tpu.memory_space<hbm>> -> memref<2x2048xf32, #tpu.memory_space<hbm>>
        %dma_wait3A_478 = arith.constant 0 : i32
        %dma_wait3A_479 = tpu.memref_slice %arg3[%multiple_of3A_475, %dma_wait3A_478] : memref<16384x2048xf32, #tpu.memory_space<hbm>> -> memref<2x2048xf32, #tpu.memory_space<hbm>>
        tpu.wait_dma2 semaphore(%arg35 : memref<!tpu.dma_semaphore, #tpu.memory_space<semaphore_mem>>) src(%arg19 : memref<2x2048xf32, #tpu.memory_space<vmem>>) dst(%dma_wait3A_479 : memref<2x2048xf32, #tpu.memory_space<hbm>>)
      } else {
      }
      %iota3A_441 = tpu.iota {dimensions = array<i32: 0>} : vector<16xi32>
      %eq3A_442 = arith.constant 0 : i32
      %eq3A_443 = vector.broadcast %eq3A_442 : i32 to vector<16xi32>
      %eq3A_444 = arith.cmpi eq, %iota3A_441, %eq3A_443 : vector<16xi32>
      %jit3A_445 = arith.constant 1.000000e+00 : f32
      %jit3A_446 = arith.constant 0.000000e+00 : f32
      %broadcast_in_dim3A_447 = vector.broadcast %jit3A_445 : f32 to vector<16xf32>
      %broadcast_in_dim3A_448 = vector.broadcast %jit3A_446 : f32 to vector<16xf32>
      %select_n3A_449 = arith.select %eq3A_444, %broadcast_in_dim3A_447, %broadcast_in_dim3A_448 : vector<16xi1>, vector<16xf32>
      %parallel_loop3A_450 = arith.constant 0 : i32
      %parallel_loop3A_451 = arith.constant 128 : i32
      %parallel_loop3A_452 = arith.constant 1 : i32
      scf.for %parallel_loop3A_471 = %parallel_loop3A_450 to %parallel_loop3A_451 step %parallel_loop3A_452  : i32 {
        %parallel_loop3A_472 = arith.constant 16 : i32
        %parallel_loop3A_473 = arith.muli %parallel_loop3A_471, %parallel_loop3A_472 : i32
        %parallel_loop3A_474 = tpu.assume_multiple %parallel_loop3A_473, 16 : i32
        %parallel_loop3A_475 = arith.constant 0 : i32
        %parallel_loop3A_476 = arith.index_cast %parallel_loop3A_475 : i32 to index
        %parallel_loop3A_477 = arith.index_cast %parallel_loop3A_474 : i32 to index
        %parallel_loop3A_478 = tpu.vector_load %arg11[%parallel_loop3A_476, %parallel_loop3A_477] {strides = array<i32>} : memref<2x2048xf32, #tpu.memory_space<vmem>>, vector<16xf32>,
        %parallel_loop3A_479 = arith.mulf %parallel_loop3A_478, %select_n3A_449 : vector<16xf32>
        %parallel_loop3A_480 = arith.constant 0 : i32
        %parallel_loop3A_481 = arith.index_cast %parallel_loop3A_480 : i32 to index
        %parallel_loop3A_482 = arith.index_cast %parallel_loop3A_474 : i32 to index
        %parallel_loop3A_483 = tpu.vector_load %arg19[%parallel_loop3A_481, %parallel_loop3A_482] {strides = array<i32>} : memref<2x2048xf32, #tpu.memory_space<vmem>>, vector<16xf32>,
        tpu.vector_store %arg19[%parallel_loop3A_481, %parallel_loop3A_482], %parallel_loop3A_479 {strides = array<i32>} : memref<2x2048xf32, #tpu.memory_space<vmem>>, vector<16xf32>,
      } {sc.loop_unroll_factor = 8 : i64, sc.parallel_access}
      %parallel_loop3A_453 = arith.constant 0 : i32
      %parallel_loop3A_454 = arith.constant 128 : i32
      %parallel_loop3A_455 = arith.constant 1 : i32
      scf.for %parallel_loop3A_471 = %parallel_loop3A_453 to %parallel_loop3A_454 step %parallel_loop3A_455  : i32 {
        %parallel_loop3A_472 = arith.constant 16 : i32
        %parallel_loop3A_473 = arith.muli %parallel_loop3A_471, %parallel_loop3A_472 : i32
        %parallel_loop3A_474 = tpu.assume_multiple %parallel_loop3A_473, 16 : i32
        %parallel_loop3A_475 = arith.constant 1 : i32
        %parallel_loop3A_476 = arith.index_cast %parallel_loop3A_475 : i32 to index
        %parallel_loop3A_477 = arith.index_cast %parallel_loop3A_474 : i32 to index
        %parallel_loop3A_478 = tpu.vector_load %arg11[%parallel_loop3A_476, %parallel_loop3A_477] {strides = array<i32>} : memref<2x2048xf32, #tpu.memory_space<vmem>>, vector<16xf32>,
        %parallel_loop3A_479 = arith.mulf %parallel_loop3A_478, %select_n3A_449 : vector<16xf32>
        %parallel_loop3A_480 = arith.constant 1 : i32
        %parallel_loop3A_481 = arith.index_cast %parallel_loop3A_480 : i32 to index
        %parallel_loop3A_482 = arith.index_cast %parallel_loop3A_474 : i32 to index
        %parallel_loop3A_483 = tpu.vector_load %arg19[%parallel_loop3A_481, %parallel_loop3A_482] {strides = array<i32>} : memref<2x2048xf32, #tpu.memory_space<vmem>>, vector<16xf32>,
        tpu.vector_store %arg19[%parallel_loop3A_481, %parallel_loop3A_482], %parallel_loop3A_479 {strides = array<i32>} : memref<2x2048xf32, #tpu.memory_space<vmem>>, vector<16xf32>,
      } {sc.loop_unroll_factor = 8 : i64, sc.parallel_access}
      %mul3A_456 = arith.constant 2 : i32
      %mul3A_457 = arith.muli %add3A_427, %mul3A_456 : i32
      %add3A_458 = arith.addi %mul3A_2, %mul3A_457 : i32
      %multiple_of3A_459 = tpu.assume_multiple %add3A_458, 2 : i32
      %dma_start3A_460 = arith.constant 0 : i32
      %dma_start3A_461 = tpu.memref_slice %arg3[%multiple_of3A_459, %dma_start3A_460] : memref<16384x2048xf32, #tpu.memory_space<hbm>> -> memref<2x2048xf32, #tpu.memory_space<hbm>>
      %dma_start3A_462 = arith.constant 0 : i32
      %dma_start3A_463 = tpu.memref_slice %arg3[%multiple_of3A_459, %dma_start3A_462] : memref<16384x2048xf32, #tpu.memory_space<hbm>> -> memref<2x2048xf32, #tpu.memory_space<hbm>>
      tpu.enqueue_dma source(%arg19 : memref<2x2048xf32, #tpu.memory_space<vmem>>) target(%dma_start3A_463 : memref<2x2048xf32, #tpu.memory_space<hbm>>) target_semaphore(%arg35 : memref<!tpu.dma_semaphore, #tpu.memory_space<semaphore_mem>>)
      %add3A_464 = arith.constant 8 : i32
      %add3A_465 = arith.addi %add3A_427, %add3A_464 : i32
      %lt3A_466 = arith.constant 256 : i32
      %lt3A_467 = arith.cmpi slt, %add3A_465, %lt3A_466 : i32
      %convert_element_type3A_468 = arith.extui %lt3A_467 : i1 to i32
      %cond3A_469 = arith.constant 0 : i32
      %cond3A_470 = arith.cmpi ne, %convert_element_type3A_468, %cond3A_469 : i32
      scf.if %cond3A_470 {
        %add3A_471 = arith.constant 8 : i32
        %add3A_472 = arith.addi %add3A_427, %add3A_471 : i32
        %mul3A_473 = arith.constant 2 : i32
        %mul3A_474 = arith.muli %add3A_472, %mul3A_473 : i32
        %add3A_475 = arith.addi %mul3A_2, %mul3A_474 : i32
        %multiple_of3A_476 = tpu.assume_multiple %add3A_475, 2 : i32
        %dma_start3A_477 = arith.constant 0 : i32
        %dma_start3A_478 = tpu.memref_slice %arg2[%multiple_of3A_476, %dma_start3A_477] : memref<16384x2048xf32, #tpu.memory_space<hbm>> -> memref<2x2048xf32, #tpu.memory_space<hbm>>
        %dma_start3A_479 = arith.constant 0 : i32
        %dma_start3A_480 = tpu.memref_slice %arg2[%multiple_of3A_476, %dma_start3A_479] : memref<16384x2048xf32, #tpu.memory_space<hbm>> -> memref<2x2048xf32, #tpu.memory_space<hbm>>
        tpu.enqueue_dma source(%dma_start3A_480 : memref<2x2048xf32, #tpu.memory_space<hbm>>) target(%arg11 : memref<2x2048xf32, #tpu.memory_space<vmem>>) target_semaphore(%arg27 : memref<!tpu.dma_semaphore, #tpu.memory_space<semaphore_mem>>)
      } else {
      }
    }
    %scan3A_60 = arith.constant 32 : i32
    %add3A_61 = arith.constant 496 : i32
    %add3A_62 = arith.addi %mul3A_2, %add3A_61 : i32
    %multiple_of3A_63 = tpu.assume_multiple %add3A_62, 2 : i32
    %dma_wait3A = arith.constant 0 : i32
    %dma_wait3A_64 = tpu.memref_slice %arg3[%multiple_of3A_63, %dma_wait3A] : memref<16384x2048xf32, #tpu.memory_space<hbm>> -> memref<2x2048xf32, #tpu.memory_space<hbm>>
    %dma_wait3A_65 = arith.constant 0 : i32
    %dma_wait3A_66 = tpu.memref_slice %arg3[%multiple_of3A_63, %dma_wait3A_65] : memref<16384x2048xf32, #tpu.memory_space<hbm>> -> memref<2x2048xf32, #tpu.memory_space<hbm>>
    tpu.wait_dma2 semaphore(%arg28 : memref<!tpu.dma_semaphore, #tpu.memory_space<semaphore_mem>>) src(%arg12 : memref<2x2048xf32, #tpu.memory_space<vmem>>) dst(%dma_wait3A_66 : memref<2x2048xf32, #tpu.memory_space<hbm>>)
    %add3A_67 = arith.constant 498 : i32
    %add3A_68 = arith.addi %mul3A_2, %add3A_67 : i32
    %multiple_of3A_69 = tpu.assume_multiple %add3A_68, 2 : i32
    %dma_wait3A_70 = arith.constant 0 : i32
    %dma_wait3A_71 = tpu.memref_slice %arg3[%multiple_of3A_69, %dma_wait3A_70] : memref<16384x2048xf32, #tpu.memory_space<hbm>> -> memref<2x2048xf32, #tpu.memory_space<hbm>>
    %dma_wait3A_72 = arith.constant 0 : i32
    %dma_wait3A_73 = tpu.memref_slice %arg3[%multiple_of3A_69, %dma_wait3A_72] : memref<16384x2048xf32, #tpu.memory_space<hbm>> -> memref<2x2048xf32, #tpu.memory_space<hbm>>
    tpu.wait_dma2 semaphore(%arg29 : memref<!tpu.dma_semaphore, #tpu.memory_space<semaphore_mem>>) src(%arg13 : memref<2x2048xf32, #tpu.memory_space<vmem>>) dst(%dma_wait3A_73 : memref<2x2048xf32, #tpu.memory_space<hbm>>)
    %add3A_74 = arith.constant 500 : i32
    %add3A_75 = arith.addi %mul3A_2, %add3A_74 : i32
    %multiple_of3A_76 = tpu.assume_multiple %add3A_75, 2 : i32
    %dma_wait3A_77 = arith.constant 0 : i32
    %dma_wait3A_78 = tpu.memref_slice %arg3[%multiple_of3A_76, %dma_wait3A_77] : memref<16384x2048xf32, #tpu.memory_space<hbm>> -> memref<2x2048xf32, #tpu.memory_space<hbm>>
    %dma_wait3A_79 = arith.constant 0 : i32
    %dma_wait3A_80 = tpu.memref_slice %arg3[%multiple_of3A_76, %dma_wait3A_79] : memref<16384x2048xf32, #tpu.memory_space<hbm>> -> memref<2x2048xf32, #tpu.memory_space<hbm>>
    tpu.wait_dma2 semaphore(%arg30 : memref<!tpu.dma_semaphore, #tpu.memory_space<semaphore_mem>>) src(%arg14 : memref<2x2048xf32, #tpu.memory_space<vmem>>) dst(%dma_wait3A_80 : memref<2x2048xf32, #tpu.memory_space<hbm>>)
    %add3A_81 = arith.constant 502 : i32
    %add3A_82 = arith.addi %mul3A_2, %add3A_81 : i32
    %multiple_of3A_83 = tpu.assume_multiple %add3A_82, 2 : i32
    %dma_wait3A_84 = arith.constant 0 : i32
    %dma_wait3A_85 = tpu.memref_slice %arg3[%multiple_of3A_83, %dma_wait3A_84] : memref<16384x2048xf32, #tpu.memory_space<hbm>> -> memref<2x2048xf32, #tpu.memory_space<hbm>>
    %dma_wait3A_86 = arith.constant 0 : i32
    %dma_wait3A_87 = tpu.memref_slice %arg3[%multiple_of3A_83, %dma_wait3A_86] : memref<16384x2048xf32, #tpu.memory_space<hbm>> -> memref<2x2048xf32, #tpu.memory_space<hbm>>
    tpu.wait_dma2 semaphore(%arg31 : memref<!tpu.dma_semaphore, #tpu.memory_space<semaphore_mem>>) src(%arg15 : memref<2x2048xf32, #tpu.memory_space<vmem>>) dst(%dma_wait3A_87 : memref<2x2048xf32, #tpu.memory_space<hbm>>)
    %add3A_88 = arith.constant 504 : i32
    %add3A_89 = arith.addi %mul3A_2, %add3A_88 : i32
    %multiple_of3A_90 = tpu.assume_multiple %add3A_89, 2 : i32
    %dma_wait3A_91 = arith.constant 0 : i32
    %dma_wait3A_92 = tpu.memref_slice %arg3[%multiple_of3A_90, %dma_wait3A_91] : memref<16384x2048xf32, #tpu.memory_space<hbm>> -> memref<2x2048xf32, #tpu.memory_space<hbm>>
    %dma_wait3A_93 = arith.constant 0 : i32
    %dma_wait3A_94 = tpu.memref_slice %arg3[%multiple_of3A_90, %dma_wait3A_93] : memref<16384x2048xf32, #tpu.memory_space<hbm>> -> memref<2x2048xf32, #tpu.memory_space<hbm>>
    tpu.wait_dma2 semaphore(%arg32 : memref<!tpu.dma_semaphore, #tpu.memory_space<semaphore_mem>>) src(%arg16 : memref<2x2048xf32, #tpu.memory_space<vmem>>) dst(%dma_wait3A_94 : memref<2x2048xf32, #tpu.memory_space<hbm>>)
    %add3A_95 = arith.constant 506 : i32
    %add3A_96 = arith.addi %mul3A_2, %add3A_95 : i32
    %multiple_of3A_97 = tpu.assume_multiple %add3A_96, 2 : i32
    %dma_wait3A_98 = arith.constant 0 : i32
    %dma_wait3A_99 = tpu.memref_slice %arg3[%multiple_of3A_97, %dma_wait3A_98] : memref<16384x2048xf32, #tpu.memory_space<hbm>> -> memref<2x2048xf32, #tpu.memory_space<hbm>>
    %dma_wait3A_100 = arith.constant 0 : i32
    %dma_wait3A_101 = tpu.memref_slice %arg3[%multiple_of3A_97, %dma_wait3A_100] : memref<16384x2048xf32, #tpu.memory_space<hbm>> -> memref<2x2048xf32, #tpu.memory_space<hbm>>
    tpu.wait_dma2 semaphore(%arg33 : memref<!tpu.dma_semaphore, #tpu.memory_space<semaphore_mem>>) src(%arg17 : memref<2x2048xf32, #tpu.memory_space<vmem>>) dst(%dma_wait3A_101 : memref<2x2048xf32, #tpu.memory_space<hbm>>)
    %add3A_102 = arith.constant 508 : i32
    %add3A_103 = arith.addi %mul3A_2, %add3A_102 : i32
    %multiple_of3A_104 = tpu.assume_multiple %add3A_103, 2 : i32
    %dma_wait3A_105 = arith.constant 0 : i32
    %dma_wait3A_106 = tpu.memref_slice %arg3[%multiple_of3A_104, %dma_wait3A_105] : memref<16384x2048xf32, #tpu.memory_space<hbm>> -> memref<2x2048xf32, #tpu.memory_space<hbm>>
    %dma_wait3A_107 = arith.constant 0 : i32
    %dma_wait3A_108 = tpu.memref_slice %arg3[%multiple_of3A_104, %dma_wait3A_107] : memref<16384x2048xf32, #tpu.memory_space<hbm>> -> memref<2x2048xf32, #tpu.memory_space<hbm>>
    tpu.wait_dma2 semaphore(%arg34 : memref<!tpu.dma_semaphore, #tpu.memory_space<semaphore_mem>>) src(%arg18 : memref<2x2048xf32, #tpu.memory_space<vmem>>) dst(%dma_wait3A_108 : memref<2x2048xf32, #tpu.memory_space<hbm>>)
    %add3A_109 = arith.constant 510 : i32
    %add3A_110 = arith.addi %mul3A_2, %add3A_109 : i32
    %multiple_of3A_111 = tpu.assume_multiple %add3A_110, 2 : i32
    %dma_wait3A_112 = arith.constant 0 : i32
    %dma_wait3A_113 = tpu.memref_slice %arg3[%multiple_of3A_111, %dma_wait3A_112] : memref<16384x2048xf32, #tpu.memory_space<hbm>> -> memref<2x2048xf32, #tpu.memory_space<hbm>>
    %dma_wait3A_114 = arith.constant 0 : i32
    %dma_wait3A_115 = tpu.memref_slice %arg3[%multiple_of3A_111, %dma_wait3A_114] : memref<16384x2048xf32, #tpu.memory_space<hbm>> -> memref<2x2048xf32, #tpu.memory_space<hbm>>
    tpu.wait_dma2 semaphore(%arg35 : memref<!tpu.dma_semaphore, #tpu.memory_space<semaphore_mem>>) src(%arg19 : memref<2x2048xf32, #tpu.memory_space<vmem>>) dst(%dma_wait3A_115 : memref<2x2048xf32, #tpu.memory_space<hbm>>)
    return
  }
}

</mosaic_0001>

<sc_bundles>
// kernel: kernel.3.cloned.1.call-start
scs
__scs_entry_jumppad:
0x0: {  	(pc) =	sbr.rel $0x88, $3  }
0x1: {  	(tag) =	ssettag $0x0;
	lr =	simm.s32 $0x1  }
0x2: {  	[smem:$0x3FA0] =	sst lr;
	_ =	strace $0xD0000000  }
0x3: {  	_ = 	snop  }
0x4: {  	_ = 	snop  }
0x5: {  	_ = 	snop  }
0x6: {  	_ = 	snop  }
0x7: {  	_ = 	snop  }
__scs_overlays_trampoline_lowered:
0x8: {  	[smem:$0x3FAF] =	sst s0  }
0x9: {  	[smem:$0x3FB0] =	sst s1  }
0xa: {  	[smem:$0x3FB1] =	sst s2  }
0xb: {  	[smem:$0x3FB2] =	sst s3  }
0xc: {  	[smem:$0x3FB3] =	sst s4  }
0xd: {  	[smem:$0x3FB4] =	sst s5  }
0xe: {  	[smem:$0x3FB5] =	sst s6  }
0xf: {  	[smem:$0x3FB6] =	sst s7  }
0x10: {  	[smem:$0x3FB7] =	sst s8  }
0x11: {  	[smem:$0x3FB8] =	sst s9;
	s0 =	simm.s32 @!p0 $0x0  }
0x12: {  	s1 =	sld [smem:$0x3F9E];
	s0 =	simm.s32 @p0 $0x1  }
0x13: {  	[smem:$0x3FB9] =	sst s0;
	s0 =	simm.s32 @!p1 $0x0  }
0x14: {  	s2 =	sld [smem:$0x3F9D];
	s0 =	simm.s32 @p1 $0x1  }
0x15: {  	[smem:$0x3FBA] =	sst s0;
	s0 =	simm.s32 @!p2 $0x0  }
0x16: {  	s3 =	sld [smem:$0x3FDB];
	s0 =	simm.s32 @p2 $0x1  }
0x17: {  	s4 =	simm.s32 $0x1BF5;
	[smem:$0x3FBC] =	sst s0  }
0x18: {  	s0 =	sld [smem:$0x3F9F];
	_ =	swait.ge [sflag:s4], $0x0  }
0x19: {  	s7 =	sld [smem:$0x3FA0]  }
0x1a: {  	s8 =	sadd.s32 $0xFFFFE003, lr  }
0x1b: {  	s9 =	sadd.s32 $0xFFFFFEF7, lr;
	s5 =	simm.s32 $0xFFFFFFFF;
	p2 =	slt.u32 s8, $0xFFFFF086  }
0x1c: {  	p1 =	slt.u32 s9, $0xF7A;
	s5 =	simm.s32 @!p2 $0x0  }
0x1d: {  	s5 =	simm.s32 @p1 $0x1;
	p0 =	seq.s32 s7, s2  }
0x1e: {  	s7 =	smul.u32 @!p0 $0xF7A, s2;
	p2 =	seq.s32 @!p0 s5, $0x0  }
0x1f: {  	s9 =	smul.u32 $0xF7A, s1;
	s8 =	simm.s32 @!p0 $0x1BF5;
	p2 =	por !p2, p0  }
0x20: {  	[sflag:s8] =	ssyncset.s32 @!p0 $0xFFFFF086;
	s6 =	sadd.s32 @!p0 s3, s7;
	s7 =	simm.s32 @!p0 $0x108  }
0x21: {  	s3 =	sadd.s32 s3, s9;
	s6 =	sadd.s32 @!p0 $0x88, s6;
	s7 =	simm.s32 @p2 $0x1082  }
0x22: {  	[simem:s7], [sflag:s8] =	dma.local @!p0 [hbm:s6], $0xF7A  }
0x23: {  	s9 =	sor.u32 $0xD0000000, s2;
	s6 =	simm.s32 $0x108;
	_ =	swait.ge @!p0 [sflag:s8], $0x0  }
0x24: {  	s3 =	sadd.s32 $0x88, s3;
	s6 =	simm.s32 @!p1 $0x1082;
	[sflag:s4] =	ssyncset.s32 $0xFFFFF086  }
0x25: {  	[simem:s6], [sflag:s4] =	dma.local [hbm:s3], $0xF7A  }
0x26: {  	[smem:$0x3FA0] =	sst s1;
	(tag) =	ssettag s2;
	_ =	strace s9  }
0x27: {  	s1 =	sld [smem:$0x3FB0]  }
0x28: {  	s2 =	sld [smem:$0x3FB1]  }
0x29: {  	s4 =	sld [smem:$0x3FB3]  }
0x2a: {  	p0 =	seq.s32 s5, $0x0;
	s5 =	sld [smem:$0x3FB4]  }
0x2b: {  	s6 =	sld [smem:$0x3FB5]  }
0x2c: {  	s7 =	sld [smem:$0x3FB6]  }
0x2d: {  	s3 =	simm.s32 $0x108;
	s8 =	sld [smem:$0x3FB7]  }
0x2e: {  	s3 =	simm.s32 @!p0 $0x1082;
	s9 =	sld [smem:$0x3FB8]  }
0x2f: {  	lr =	sadd.s32 s0, s3;
	s0 =	sld [smem:$0x3FAF]  }
0x30: {  	s3 =	sld [smem:$0x3FB2]  }
0x31: {  	[smem:$0x3FBB] =	sst s10  }
0x32: {  	s10 =	sld [smem:$0x3FB9];
	_ =	sdelay $0x3  }
0x33: {  	p0 =	seq.s32 s10, $0x1;
	s10 =	sld [smem:$0x3FBB];
	_ =	sdelay $0x3  }
0x34: {  	[smem:$0x3FBB] =	sst s10  }
0x35: {  	s10 =	sld [smem:$0x3FBA];
	_ =	sdelay $0x3  }
0x36: {  	p1 =	seq.s32 s10, $0x1;
	s10 =	sld [smem:$0x3FBB];
	_ =	sdelay $0x3  }
0x37: {  	[smem:$0x3FBB] =	sst s10  }
0x38: {  	s10 =	sld [smem:$0x3FBC]  }
0x39: {  	_ = 	snop;
	(pc) =	sbr.ind lr, $3  }
0x3a: {  	_ = 	snop  }
0x3b: {  	_ = 	snop  }
0x3c: {  	p2 =	seq.s32 s10, $0x1;
	s10 =	sld [smem:$0x3FBB]  }
0x3d: {  	_ =	shalt  }
0x3e: {  	_ =	shalt  }
0x3f: {  	_ =	shalt  }
0x40: {  	_ =	shalt  }
0x41: {  	_ =	shalt  }
0x42: {  	_ =	shalt  }
0x43: {  	_ =	shalt  }
0x44: {  	_ =	shalt  }
0x45: {  	_ =	shalt  }
0x46: {  	_ =	shalt  }
0x47: {  	_ =	shalt  }
0x48: {  	_ =	shalt  }
0x49: {  	_ =	shalt  }
0x4a: {  	_ =	shalt  }
0x4b: {  	_ =	shalt  }
0x4c: {  	_ =	shalt  }
0x4d: {  	_ =	shalt  }
0x4e: {  	_ =	shalt  }
0x4f: {  	_ =	shalt  }
0x50: {  	_ =	shalt  }
0x51: {  	_ =	shalt  }
0x52: {  	_ =	shalt  }
0x53: {  	_ =	shalt  }
0x54: {  	_ =	shalt  }
0x55: {  	_ =	shalt  }
0x56: {  	_ =	shalt  }
0x57: {  	_ =	shalt  }
0x58: {  	_ =	shalt  }
0x59: {  	_ =	shalt  }
0x5a: {  	_ =	shalt  }
0x5b: {  	_ =	shalt  }
0x5c: {  	_ =	shalt  }
0x5d: {  	_ =	shalt  }
0x5e: {  	_ =	shalt  }
0x5f: {  	_ =	shalt  }
0x60: {  	_ =	shalt  }
0x61: {  	_ =	shalt  }
0x62: {  	_ =	shalt  }
0x63: {  	_ =	shalt  }
0x64: {  	_ =	shalt  }
0x65: {  	_ =	shalt  }
0x66: {  	_ =	shalt  }
0x67: {  	_ =	shalt  }
0x68: {  	_ =	shalt  }
0x69: {  	_ =	shalt  }
0x6a: {  	_ =	shalt  }
0x6b: {  	_ =	shalt  }
0x6c: {  	_ =	shalt  }
0x6d: {  	_ =	shalt  }
0x6e: {  	_ =	shalt  }
0x6f: {  	_ =	shalt  }
0x70: {  	_ =	shalt  }
0x71: {  	_ =	shalt  }
0x72: {  	_ =	shalt  }
0x73: {  	_ =	shalt  }
0x74: {  	_ =	shalt  }
0x75: {  	_ =	shalt  }
0x76: {  	_ =	shalt  }
0x77: {  	_ =	shalt  }
0x78: {  	_ =	shalt  }
0x79: {  	_ =	shalt  }
0x7a: {  	_ =	shalt  }
0x7b: {  	_ =	shalt  }
0x7c: {  	_ =	shalt  }
0x7d: {  	_ =	shalt  }
0x7e: {  	_ =	shalt  }
0x7f: {  	_ =	shalt  }
0x80: {  	_ =	shalt  }
0x81: {  	_ =	shalt  }
0x82: {  	_ =	shalt  }
0x83: {  	_ =	shalt  }
0x84: {  	_ =	shalt  }
0x85: {  	_ =	shalt  }
0x86: {  	_ =	shalt  }
0x87: {  	_ =	shalt  }
.Lfunc_end0:
.L_simem_size_0:
called_computation_lowered:
.L_overlay_start_0:
0x88: {  	s2 =	sld [smem:$0x3FD9]  }
0x89: {  	s3 =	sld [smem:$0x3FFE];
	_ =	sdelay $0x1  }
0x8a: {  	s1 =	srdreg.scid  }
0x8b: {  	s0 =	sand.u32 $0x1, s1  }
0x8c: {  	s18 =	sshll.u32 s0, $0xA;
	s2 =	sadd.s32 s3, s2  }
0x8d: {  	s2 =	sadd.s32 s2, s18  }
0x8e: {  	[smem:$0x3FC7] =	sst s2  }
0x8f: {  	_ = 	snop  }
0x90: {  	s2 =	sld [smem:$0x3FC9]  }
0x91: {  	s19 =	sld [smem:$0x3FD0];
	(tm) =	ssettm $0x1  }
0x92: {  	s4 =	sld [smem:$0x3FFB];
	_ =	sdelay $0x3  }
0x93: {  	_ =	strace s4  }
0x94: {  	s4 =	sld [smem:$0x3FFC];
	_ =	sdelay $0x3  }
0x95: {  	_ =	strace s4  }
0x96: {  	s4 =	sld [smem:$0x3FFD];
	_ =	sdelay $0x3  }
0x97: {  	_ =	strace s4  }
0x98: {  	_ =	strace $0x8FFFFFFF  }
0x99: {  	s20 =	sld [smem:$0x3FDB];
	_ =	sdelay $0x1  }
0x9a: {  	s5 =	simm.s32 $_scs_section_size  }
0x9b: {  	s6 =	simm.s32 $_size__tile_overlayer_lowered;
	s7 =	simm.s32 $_tile_overlayer_lowered  }
0x9c: {  	s23 =	simm.s32 $0x1BFF;
	s22 =	sshll.u32 s7, $0x1;
	s4 =	sadd.s32 s5, s20  }
0x9d: {  	s8 =	simm.s32 $0x0;
	s21 =	sshll.u32 s6, $0x1;
	s6 =	sadd.s32 s22, s4  }
0x9e: {  	[timem:s8], [sflag:s23] =	dma.local [hbm:s6], s21  }
0x9f: {  	_ =	swait.ge [sflag:s23], s21  }
0xa0: {  	s5 =	ssub.s32 $0x0, s21;
	[sflag:s23] =	ssyncset.done $0x0  }
0xa1: {  	[sflag:s23] =	ssyncadd.s32 s5;
	_ =	sdelay $0x1  }
0xa2: {  	s24 =	simm.s32 $0x1B8B  }
0xa3: {  	_ =	swait.ge [sflag:s24], $0x1  }
0xa4: {  	[sflag:s24] =	ssyncset.done $0x0  }
0xa5: {  	s25 =	simm.s32 $0x1B8E;
	[sflag:s24] =	ssyncadd.s32 $0xFFFFFFFF  }
0xa6: {  	s26 =	simm.s32 $execute0_lowered;
	[smem:$0x3FD2] =	sst s25  }
0xa7: {  	s5 =	sshll.u32 s26, $0x1;
	_ =	strace $0x80000046;
	[dreg:$0x1] =	wrdreg $0xFFFFFFFF  }
0xa8: {  	s28 =	simm.s32 $_size_execute0_lowered;
	s4 =	sadd.s32 s4, s5;
	[dreg:$0x0] =	wrdreg $0x0  }
0xa9: {  	s5 =	sshll.u32 s28, $0x1;
	[dreg:$0x2] =	wrdreg s4  }
0xaa: {  	[dreg:$0x3] =	wrdreg s5  }
0xab: {  	[dreg:$0x4] =	wrdreg $0xC0  }
0xac: {  	_ =	task [dreg:s8], $0x5FFFF  }
0xad: {  	[dreg:$0x1] =	wrdreg $0xFFFFFFFF  }
0xae: {  	[dreg:$0x0] =	wrdreg $0x60  }
0xaf: {  	[dreg:$0x2] =	wrdreg s2  }
0xb0: {  	[dreg:$0x3] =	wrdreg s19  }
0xb1: {  	[dreg:$0x4] =	wrdreg $0x9  }
0xb2: {  	_ =	task.clear_ibuf [dreg:s8], $0x5FFFF;
	_ =	strace $0x90000046  }
0xb3: {  	s29 =	simm.s32 $0x9;
	_ =	strace $0x80000048  }
0xb4: {  	_ =	swait.ge [sflag:s29], $0x1  }
0xb5: {  	[sflag:s29] =	ssyncadd.s32 $0xFFFFFFFF  }
0xb6: {  	_ =	strace $0x90000048  }
0xb7: {  	_ =	sfence  }
0xb8: {  	s30 =	sld [smem:$0x0];
	_ =	sdelay $0x2  }
0xb9: {  	s31 =	sshll.u32 s1, $0xD;
	s1 =	sshrl.u32 s1, $0x2  }
0xba: {  	s3 =	sand.u32 $0x4000, s31;
	s1 =	sadd.s32 s1, s30  }
0xbb: {  	s0 =	sor.u32 s3, s0;
	s1 =	sshll.u32 s1, $0x11  }
0xbc: {  	s0 =	sor.u32 s1, s0  }
0xbd: {  	s0 =	sadd.s32 $0x8F2B, s0  }
0xbe: {  	[sflag:s0] =	ssyncadd.remote.s32 $0x1  }
0xbf: {  	_ =	sfence.sel $0xFFFF  }
0xc0: {  	[dreg:$0x0] =	wrdreg $0xFFFFFFFF;
	(pc) =	sbr.abs _section_cstart, $3  }
0xc1: {  	[dreg:$0x1] =	wrdreg $0xFFFFFFFF  }
0xc2: {  	_ =	task.clear_ibuf [dreg:s8], $0x2FFFF;
	_ =	strace $0x9FFFFFFF  }
0xc3: {  	(tm) =	ssettm $0x7FFFFFFF  }
tec
execute0_lowered:
.L_overlay_start_1:
0x0: {  	(tag) =	ssettag $0x1  }
0x1: {  	s0 =	rddreg [dreg:$0x0]  }
0x2: {  	s5 =	rddreg [dreg:$0x1];
	s1 =	srdreg.scid  }
0x3: {  	s4 =	simm.s32 $0x0;
	s3 =	stileid.u32;
	s1 =	sand.u32 $0x1, s1  }
0x4: {  	s3 =	sshll.u32 s3, $0x12;
	[smem:$0x7FF] =	sst s4;
	s20 =	sadd.s32 $0x20, s5  }
0x5: {  	s22 =	sadd.s32 $0x40, s5;
	s2 =	ssub.s32 $0x2, s1;
	s1 =	sshll.u32 s1, $0x11  }
0x6: {  	_ =	strace $0x80000047;
	[dreg:$0xc] =	wrdreg s20;
	s3 =	sor.u32 s1, s3  }
0x7: {  	[dreg:$0xe] =	wrdreg s22;
	s0 =	sadd.s32 s0, s3  }
0x8: {  	s30 =	simm.s32 $0x100;
	s11 =	sadd.s32 $0x20, s0;
	[dreg:$0x3] =	wrdreg s0  }
0x9: {  	s31 =	simm.s32 $0x400;
	s12 =	sadd.s32 $0x40, s0;
	[dreg:$0x4] =	wrdreg s11  }
0xa: {  	s7 =	simm.s32 $0x4;
	s13 =	sadd.s32 $0x60, s0;
	[dreg:$0x5] =	wrdreg s12  }
0xb: {  	s8 =	simm.s32 $0xC;
	s14 =	sadd.s32 $0x800, s0;
	[dreg:$0x6] =	wrdreg s13  }
0xc: {  	s6 =	simm.s32 $0x0;
	s15 =	sadd.s32 $0x820, s0;
	[dreg:$0x7] =	wrdreg s14  }
0xd: {  	s28 =	sadd.s32 $0x860, s5;
	s17 =	sadd.s32 $0x840, s0;
	[dreg:$0x8] =	wrdreg s15  }
0xe: {  	s20 =	sadd.s32 $0x800, s5;
	s18 =	sadd.s32 $0x860, s0;
	[dreg:$0x9] =	wrdreg s17  }
0xf: {  	s22 =	sadd.s32 $0x820, s5;
	s19 =	sadd.s32 $0x1000, s0;
	[dreg:$0xa] =	wrdreg s18  }
0x10: {  	s9 =	sshrl.u32 s2, $0x1;
	s21 =	sadd.s32 $0x1020, s0;
	[dreg:$0xb] =	wrdreg s19  }
0x11: {  	s10 =	ssub.s32 s2, s9;
	s23 =	sadd.s32 $0x1040, s0;
	[dreg:$0xd] =	wrdreg s21  }
0x12: {  	s16 =	smov.u32 s3;
	s24 =	sadd.s32 $0x1060, s0;
	[dreg:$0xf] =	wrdreg s23  }
0x13: {  	s2 =	simm.s32 $0x5;
	s25 =	sadd.s32 $0x1800, s0;
	[dreg:$0x10] =	wrdreg s24  }
0x14: {  	s3 =	simm.s32 $0x10;
	s26 =	sadd.s32 $0x1820, s0;
	[dreg:$0x11] =	wrdreg s25  }
0x15: {  	s1 =	smax.u32 s10, $0x1;
	s29 =	sadd.s32 $0x1840, s0;
	[dreg:$0x12] =	wrdreg s26  }
0x16: {  	s0 =	sadd.s32 $0x1860, s0;
	s18 =	sadd.s32 $0x60, s5;
	[dreg:$0x13] =	wrdreg s1  }
.Ltmp0:
0x17: {  	s24 =	sadd.s32 $0x840, s5;
	[dreg:$0x14] =	wrdreg s29;
	(pc) =	sbr.rel .LBB2_1-.Ltmp0, $4  }
0x18: {  	[dreg:$0x15] =	wrdreg s0;
	s11 =	simm.s32 $0x1;
	s25 =	simm.s32 $0x2  }
0x19: {  	s5 =	simm.s32 $0xA;
	s0 =	simm.s32 $0x3;
	s1 =	simm.s32 $0xB  }
0x1a: {  	v0 =	vimm.f32 $0.0e+00;
	vm0 =	vcmask $0x300;
	s13 =	simm.s32 $0xD;
	s17 =	simm.s32 $0x6;
	s19 =	simm.s32 $0xE  }
0x1b: {  	v0 =	vsel vm0, $0x3F800000, v0;
	s23 =	simm.s32 $0x7;
	s26 =	simm.s32 $0xF;
	s12 =	simm.s32 $0x8  }
.LBB2_64:
0x1c: {  	s4 =	simm.s32 $0x9  }
0x1d: {  	_ =	swait.ge [sflag:s4], $0x1000  }
0x1e: {  	[sflag:s4] =	ssyncset.done $0x0  }
0x1f: {  	[sflag:s4] =	ssyncadd.s32 $0xFFFFF000  }
0x20: {  	_ =	swait.ge [sflag:s5], $0x1000  }
0x21: {  	[sflag:s5] =	ssyncset.done $0x0  }
0x22: {  	[sflag:s5] =	ssyncadd.s32 $0xFFFFF000  }
0x23: {  	_ =	swait.ge [sflag:s1], $0x1000  }
0x24: {  	[sflag:s1] =	ssyncset.done $0x0  }
0x25: {  	[sflag:s1] =	ssyncadd.s32 $0xFFFFF000  }
0x26: {  	_ =	swait.ge [sflag:s8], $0x1000  }
0x27: {  	[sflag:s8] =	ssyncset.done $0x0  }
0x28: {  	[sflag:s8] =	ssyncadd.s32 $0xFFFFF000  }
0x29: {  	_ =	swait.ge [sflag:s13], $0x1000  }
0x2a: {  	[sflag:s13] =	ssyncset.done $0x0  }
0x2b: {  	[sflag:s13] =	ssyncadd.s32 $0xFFFFF000  }
0x2c: {  	_ =	swait.ge [sflag:s19], $0x1000  }
0x2d: {  	[sflag:s19] =	ssyncset.done $0x0  }
0x2e: {  	[sflag:s19] =	ssyncadd.s32 $0xFFFFF000  }
0x2f: {  	_ =	swait.ge [sflag:s26], $0x1000  }
0x30: {  	[sflag:s26] =	ssyncset.done $0x0  }
0x31: {  	[sflag:s26] =	ssyncadd.s32 $0xFFFFF000  }
0x32: {  	_ =	swait.ge [sflag:s3], $0x1000  }
0x33: {  	s6 =	rddreg [dreg:$0x16]  }
0x34: {  	s29 =	rddreg [dreg:$0x13];
	s6 =	sadd.s32 $0x1, s6  }
0x35: {  	p0 =	sne.s32 s6, s29  }
.Ltmp1:
0x36: {  	_ = 	snop;
	(pc) =	sbr.rel @!p0 .LBB2_65-.Ltmp1, $3  }
0x37: {  	_ =	sdelay $0x1  }
0x38: {  	[sflag:s3] =	ssyncset.done $0x0  }
0x39: {  	[sflag:s3] =	ssyncadd.s32 $0xFFFFF000  }
.LBB2_1:
0x3a: {  	[dreg:$0x16] =	wrdreg s6  }
0x3b: {  	s4 =	simm.s32 $0x0;
	s15 =	rddreg [dreg:$0x3]  }
0x3c: {  	[tilespmem:s4], [sflag:$0x1] =	stream.strided.gather [hbm4b:s15+s30], $0x1000, s31, s30, $0x38;
	[tilespmem:$0x10000] =	vst v63  }
0x3d: {  	s21 =	rddreg [dreg:$0x4];
	s29 =	simm.s32 $0x1000  }
0x3e: {  	[tilespmem:s29], [sflag:$0x2] =	stream.strided.gather [hbm4b:s21+s30], $0x1000, s31, s30, $0x38;
	[tilespmem:$0x10000] =	vst v63  }
0x3f: {  	s9 =	rddreg [dreg:$0x5];
	s10 =	simm.s32 $0x2000  }
0x40: {  	[tilespmem:s10], [sflag:$0x3] =	stream.strided.gather [hbm4b:s9+s30], $0x1000, s31, s30, $0x38;
	[tilespmem:$0x10000] =	vst v63  }
0x41: {  	s14 =	rddreg [dreg:$0x6];
	s15 =	simm.s32 $0x3000  }
0x42: {  	[tilespmem:s15], [sflag:$0x4] =	stream.strided.gather [hbm4b:s14+s30], $0x1000, s31, s30, $0x38;
	[tilespmem:$0x10000] =	vst v63  }
0x43: {  	s21 =	rddreg [dreg:$0x7];
	s29 =	simm.s32 $0x4000  }
0x44: {  	[tilespmem:s29], [sflag:$0x5] =	stream.strided.gather [hbm4b:s21+s30], $0x1000, s31, s30, $0x38;
	[tilespmem:$0x10000] =	vst v63  }
0x45: {  	s9 =	rddreg [dreg:$0x8];
	s10 =	simm.s32 $0x5000  }
0x46: {  	[tilespmem:s10], [sflag:$0x6] =	stream.strided.gather [hbm4b:s9+s30], $0x1000, s31, s30, $0x38;
	[tilespmem:$0x10000] =	vst v63  }
0x47: {  	s14 =	rddreg [dreg:$0x9];
	s15 =	simm.s32 $0x6000  }
0x48: {  	[tilespmem:s15], [sflag:$0x7] =	stream.strided.gather [hbm4b:s14+s30], $0x1000, s31, s30, $0x38;
	[tilespmem:$0x10000] =	vst v63  }
0x49: {  	s21 =	rddreg [dreg:$0xa];
	s29 =	simm.s32 $0x7000;
	s9 =	simm.s32 $0x0  }
0x4a: {  	[tilespmem:s29], [sflag:$0x8] =	stream.strided.gather [hbm4b:s21+s30], $0x1000, s31, s30, $0x38;
	[tilespmem:$0x10000] =	vst v63  }
.LBB2_2:
0x4b: {  	_ =	swait.ge [sflag:s11], $0x1000  }
0x4c: {  	p0 =	seq.s32 s9, $0x0;
	[sflag:s11] =	ssyncset.done $0x0  }
0x4d: {  	s4 =	simm.s32 @!p0 $0x9;
	[sflag:s11] =	ssyncadd.s32 $0xFFFFF000  }
0x4e: {  	_ =	swait.ge @!p0 [sflag:s4], $0x1000  }
0x4f: {  	[sflag:s4] =	ssyncset.done @!p0 $0x0  }
0x50: {  	s6 =	simm.s32 $0x40;
	[sflag:s4] =	ssyncadd.s32 @!p0 $0xFFFFF000  }
0x51: {  	v4 =	vld [tilespmem:s6+$0x30]  }
0x52: {  	v5 =	vld [tilespmem:s6+$0xFFFFFFD0]  }
0x53: {  	v7 =	vld [tilespmem:s6+$0xFFFFFFE0]  }
0x54: {  	v3 =	vld [tilespmem:s6+$0xFFFFFFF0]  }
0x55: {  	v1 =	vld [tilespmem:s6+$0x0]  }
0x56: {  	s15 =	sshll.u32 s9, $0xC;
	v2 =	vld [tilespmem:s6+$0x10];
	v8 =	vmul.f32 v0, v4  }
0x57: {  	s29 =	simm.s32 $0x8040;
	s14 =	simm.s32 $0x140;
	s10 =	simm.s32 $0x80F0;
	v4 =	vld [tilespmem:s6+$0x20];
	v6 =	vmul.f32 v0, v5  }
0x58: {  	s21 =	sor.u32 s16, s15;
	s4 =	simm.s32 $0x0;
	v5 =	vld [tilespmem:s6+$0xFFFFFFC0];
	v7 =	vmul.f32 v0, v7;
	s6 =	simm.s32 $0xF0;
	[tilespmem:s29+$0x30] =	vst v8  }
.LBB2_3:
0x59: {  	v8 =	vld [tilespmem:s14+$0x30];
	s4 =	sadd.s32 $0x8, s4;
	[tilespmem:s29+$0xFFFFFFD0] =	vst v6;
	v3 =	vmul.f32 v0, v3  }
0x5a: {  	v6 =	vld [tilespmem:s14+$0xFFFFFFD0];
	p1 =	slt.u32 s4, $0x78;
	[tilespmem:s29+$0xFFFFFFE0] =	vst v7;
	v1 =	vmul.f32 v0, v1  }
0x5b: {  	v7 =	vld [tilespmem:s14+$0xFFFFFFE0];
	[tilespmem:s29+$0xFFFFFFF0] =	vst v3;
	v2 =	vmul.f32 v0, v2  }
.Ltmp2:
0x5c: {  	v3 =	vld [tilespmem:s14+$0xFFFFFFF0];
	[tilespmem:s29+$0x0] =	vst v1;
	v4 =	vmul.f32 v0, v4;
	(pc) =	sbr.rel @p1 .LBB2_3-.Ltmp2, $4  }
0x5d: {  	v1 =	vld [tilespmem:s14+$0x0];
	v5 =	vmul.f32 v0, v5;
	[tilespmem:s29+$0x10] =	vst v2  }
0x5e: {  	v2 =	vld [tilespmem:s14+$0x10];
	v8 =	vmul.f32 v0, v8;
	[tilespmem:s29+$0x20] =	vst v4  }
0x5f: {  	v6 =	vmul.f32 v0, v6;
	v4 =	vld [tilespmem:s14+$0x20];
	[tilespmem:s29+$0xFFFFFFC0] =	vst v5;
	s29 =	sadd.s32 $0x100, s29  }
0x60: {  	v5 =	vld [tilespmem:s14+$0xFFFFFFC0];
	v7 =	vmul.f32 v0, v7;
	[tilespmem:s29+$0x30] =	vst v8;
	s14 =	sadd.s32 $0x100, s14  }
0x61: {  	[tilespmem:s29+$0xFFFFFFD0] =	vst v6;
	v3 =	vmul.f32 v0, v3  }
0x62: {  	[tilespmem:s29+$0xFFFFFFE0] =	vst v7;
	v1 =	vmul.f32 v0, v1  }
0x63: {  	[tilespmem:s29+$0xFFFFFFF0] =	vst v3;
	v2 =	vmul.f32 v0, v2  }
0x64: {  	[tilespmem:s29+$0x0] =	vst v1;
	v1 =	vmul.f32 v0, v4  }
0x65: {  	v3 =	vmul.f32 v0, v5;
	[tilespmem:s29+$0x10] =	vst v2  }
0x66: {  	[tilespmem:s29+$0x20] =	vst v1  }
0x67: {  	[tilespmem:s29+$0xFFFFFFC0] =	vst v3  }
0x68: {  	v3 =	vld [tilespmem:s6+$0x0]  }
0x69: {  	v5 =	vld [tilespmem:s6+$0xFFFFFFA0]  }
0x6a: {  	v7 =	vld [tilespmem:s6+$0xFFFFFFB0]  }
0x6b: {  	v4 =	vld [tilespmem:s6+$0xFFFFFFC0]  }
0x6c: {  	v2 =	vld [tilespmem:s6+$0xFFFFFFD0]  }
0x6d: {  	v1 =	vld [tilespmem:s6+$0xFFFFFFE0];
	v8 =	vmul.f32 v0, v3  }
0x6e: {  	v3 =	vld [tilespmem:s6+$0xFFFFFFF0];
	v6 =	vmul.f32 v0, v5  }
0x6f: {  	s4 =	simm.s32 $0x0;
	v5 =	vld [tilespmem:s6+$0xFFFFFF90];
	v7 =	vmul.f32 v0, v7;
	s6 =	simm.s32 $0x1F0;
	[tilespmem:s10+$0x0] =	vst v8  }
.LBB2_5:
0x70: {  	v8 =	vld [tilespmem:s6+$0x0];
	s4 =	sadd.s32 $0x8, s4;
	[tilespmem:s10+$0xFFFFFFA0] =	vst v6;
	v4 =	vmul.f32 v0, v4  }
0x71: {  	v6 =	vld [tilespmem:s6+$0xFFFFFFA0];
	p1 =	slt.u32 s4, $0x78;
	[tilespmem:s10+$0xFFFFFFB0] =	vst v7;
	v2 =	vmul.f32 v0, v2  }
0x72: {  	v7 =	vld [tilespmem:s6+$0xFFFFFFB0];
	[tilespmem:s10+$0xFFFFFFC0] =	vst v4;
	v1 =	vmul.f32 v0, v1  }
.Ltmp3:
0x73: {  	v4 =	vld [tilespmem:s6+$0xFFFFFFC0];
	[tilespmem:s10+$0xFFFFFFD0] =	vst v2;
	v3 =	vmul.f32 v0, v3;
	(pc) =	sbr.rel @p1 .LBB2_5-.Ltmp3, $4  }
0x74: {  	v2 =	vld [tilespmem:s6+$0xFFFFFFD0];
	v5 =	vmul.f32 v0, v5;
	[tilespmem:s10+$0xFFFFFFE0] =	vst v1  }
0x75: {  	v1 =	vld [tilespmem:s6+$0xFFFFFFE0];
	v8 =	vmul.f32 v0, v8;
	[tilespmem:s10+$0xFFFFFFF0] =	vst v3  }
0x76: {  	v6 =	vmul.f32 v0, v6;
	v3 =	vld [tilespmem:s6+$0xFFFFFFF0];
	[tilespmem:s10+$0xFFFFFF90] =	vst v5;
	s10 =	sadd.s32 $0x100, s10  }
0x77: {  	v5 =	vld [tilespmem:s6+$0xFFFFFF90];
	v7 =	vmul.f32 v0, v7;
	[tilespmem:s10+$0x0] =	vst v8;
	s6 =	sadd.s32 $0x100, s6  }
0x78: {  	[tilespmem:s10+$0xFFFFFFA0] =	vst v6;
	v4 =	vmul.f32 v0, v4  }
0x79: {  	[tilespmem:s10+$0xFFFFFFB0] =	vst v7;
	v2 =	vmul.f32 v0, v2  }
0x7a: {  	p1 =	sne.s32 s9, $0x1F;
	[tilespmem:s10+$0xFFFFFFC0] =	vst v4;
	v1 =	vmul.f32 v0, v1  }
.Ltmp4:
0x7b: {  	[tilespmem:s10+$0xFFFFFFD0] =	vst v2;
	v2 =	vmul.f32 v0, v3;
	(pc) =	sbr.rel @p1 .LBB2_8-.Ltmp4, $4  }
0x7c: {  	v3 =	vmul.f32 v0, v5;
	[tilespmem:s10+$0xFFFFFFE0] =	vst v1  }
0x7d: {  	s4 =	rddreg [dreg:$0x1];
	[tilespmem:s10+$0xFFFFFFF0] =	vst v2  }
0x7e: {  	s6 =	simm.s32 $0x8000;
	s4 =	sadd.s32 s4, s21;
	[tilespmem:s10+$0xFFFFFF90] =	vst v3  }
0x7f: {  	[hbm4b:s4+s30] =	stream.strided.scatter [tilespmem:s6], [sflag:$0x9], $0x1000, s31, s30, $0x38;
	[tilespmem:$0x10000] =	vst v63  }
.Ltmp5:
0x80: {  	(pc) =	sbr.rel .LBB2_9-.Ltmp5, $4  }
0x81: {  	_ = 	snop  }
0x82: {  	_ =	swait.ge [sflag:s25], $0x1000  }
0x83: {  	[sflag:s25] =	ssyncset.done $0x0  }
0x84: {  	[sflag:s25] =	ssyncadd.s32 $0xFFFFF000  }
.LBB2_8:
0x85: {  	s4 =	rddreg [dreg:$0xb]  }
.Ltmp6:
0x86: {  	s6 =	simm.s32 $0x0;
	s4 =	sadd.s32 s15, s4;
	(pc) =	sbr.rel @p0 .LBB2_10-.Ltmp6, $4  }
0x87: {  	[tilespmem:s6], [sflag:$0x1] =	stream.strided.gather [hbm4b:s4+s30], $0x1000, s31, s30, $0x38;
	[tilespmem:$0x10000] =	vst v63  }
0x88: {  	_ =	swait.ge [sflag:s25], $0x1000  }
0x89: {  	[sflag:s25] =	ssyncset.done $0x0  }
0x8a: {  	[sflag:s25] =	ssyncadd.s32 $0xFFFFF000  }
.LBB2_9:
0x8b: {  	_ =	swait.ge [sflag:s5], $0x1000  }
0x8c: {  	[sflag:s5] =	ssyncset.done $0x0  }
0x8d: {  	[sflag:s5] =	ssyncadd.s32 $0xFFFFF000  }
.LBB2_10:
0x8e: {  	s6 =	simm.s32 $0x1040  }
0x8f: {  	v4 =	vld [tilespmem:s6+$0x30]  }
0x90: {  	v5 =	vld [tilespmem:s6+$0xFFFFFFD0]  }
0x91: {  	v7 =	vld [tilespmem:s6+$0xFFFFFFE0]  }
0x92: {  	v3 =	vld [tilespmem:s6+$0xFFFFFFF0]  }
0x93: {  	v2 =	vld [tilespmem:s6+$0x0]  }
0x94: {  	v1 =	vld [tilespmem:s6+$0x10];
	v8 =	vmul.f32 v0, v4  }
0x95: {  	s29 =	simm.s32 $0x9040;
	s4 =	simm.s32 $0x0;
	v4 =	vld [tilespmem:s6+$0x20];
	v6 =	vmul.f32 v0, v5  }
0x96: {  	s14 =	simm.s32 $0x1140;
	s10 =	simm.s32 $0x90F0;
	v5 =	vld [tilespmem:s6+$0xFFFFFFC0];
	v7 =	vmul.f32 v0, v7;
	s6 =	simm.s32 $0x10F0;
	[tilespmem:s29+$0x30] =	vst v8  }
.LBB2_11:
0x97: {  	v8 =	vld [tilespmem:s14+$0x30];
	s4 =	sadd.s32 $0x8, s4;
	[tilespmem:s29+$0xFFFFFFD0] =	vst v6;
	v3 =	vmul.f32 v0, v3  }
0x98: {  	v6 =	vld [tilespmem:s14+$0xFFFFFFD0];
	p2 =	slt.u32 s4, $0x78;
	[tilespmem:s29+$0xFFFFFFE0] =	vst v7;
	v2 =	vmul.f32 v0, v2  }
0x99: {  	v7 =	vld [tilespmem:s14+$0xFFFFFFE0];
	[tilespmem:s29+$0xFFFFFFF0] =	vst v3;
	v1 =	vmul.f32 v0, v1  }
.Ltmp7:
0x9a: {  	v3 =	vld [tilespmem:s14+$0xFFFFFFF0];
	[tilespmem:s29+$0x0] =	vst v2;
	v4 =	vmul.f32 v0, v4;
	(pc) =	sbr.rel @p2 .LBB2_11-.Ltmp7, $4  }
0x9b: {  	v2 =	vld [tilespmem:s14+$0x0];
	v5 =	vmul.f32 v0, v5;
	[tilespmem:s29+$0x10] =	vst v1  }
0x9c: {  	v1 =	vld [tilespmem:s14+$0x10];
	v8 =	vmul.f32 v0, v8;
	[tilespmem:s29+$0x20] =	vst v4  }
0x9d: {  	v6 =	vmul.f32 v0, v6;
	v4 =	vld [tilespmem:s14+$0x20];
	[tilespmem:s29+$0xFFFFFFC0] =	vst v5;
	s29 =	sadd.s32 $0x100, s29  }
0x9e: {  	v5 =	vld [tilespmem:s14+$0xFFFFFFC0];
	v7 =	vmul.f32 v0, v7;
	[tilespmem:s29+$0x30] =	vst v8;
	s14 =	sadd.s32 $0x100, s14  }
0x9f: {  	[tilespmem:s29+$0xFFFFFFD0] =	vst v6;
	v3 =	vmul.f32 v0, v3  }
0xa0: {  	[tilespmem:s29+$0xFFFFFFE0] =	vst v7;
	v2 =	vmul.f32 v0, v2  }
0xa1: {  	[tilespmem:s29+$0xFFFFFFF0] =	vst v3;
	v1 =	vmul.f32 v0, v1  }
0xa2: {  	[tilespmem:s29+$0x0] =	vst v2;
	v2 =	vmul.f32 v0, v4  }
0xa3: {  	v3 =	vmul.f32 v0, v5;
	[tilespmem:s29+$0x10] =	vst v1  }
0xa4: {  	[tilespmem:s29+$0x20] =	vst v2  }
0xa5: {  	[tilespmem:s29+$0xFFFFFFC0] =	vst v3  }
0xa6: {  	v3 =	vld [tilespmem:s6+$0x0]  }
0xa7: {  	v5 =	vld [tilespmem:s6+$0xFFFFFFA0]  }
0xa8: {  	v7 =	vld [tilespmem:s6+$0xFFFFFFB0]  }
0xa9: {  	v4 =	vld [tilespmem:s6+$0xFFFFFFC0]  }
0xaa: {  	v2 =	vld [tilespmem:s6+$0xFFFFFFD0]  }
0xab: {  	v1 =	vld [tilespmem:s6+$0xFFFFFFE0];
	v8 =	vmul.f32 v0, v3  }
0xac: {  	v3 =	vld [tilespmem:s6+$0xFFFFFFF0];
	v6 =	vmul.f32 v0, v5  }
0xad: {  	s4 =	simm.s32 $0x0;
	v5 =	vld [tilespmem:s6+$0xFFFFFF90];
	v7 =	vmul.f32 v0, v7;
	s6 =	simm.s32 $0x11F0;
	[tilespmem:s10+$0x0] =	vst v8  }
.LBB2_13:
0xae: {  	v8 =	vld [tilespmem:s6+$0x0];
	s4 =	sadd.s32 $0x8, s4;
	[tilespmem:s10+$0xFFFFFFA0] =	vst v6;
	v4 =	vmul.f32 v0, v4  }
0xaf: {  	v6 =	vld [tilespmem:s6+$0xFFFFFFA0];
	p2 =	slt.u32 s4, $0x78;
	[tilespmem:s10+$0xFFFFFFB0] =	vst v7;
	v2 =	vmul.f32 v0, v2  }
0xb0: {  	v7 =	vld [tilespmem:s6+$0xFFFFFFB0];
	[tilespmem:s10+$0xFFFFFFC0] =	vst v4;
	v1 =	vmul.f32 v0, v1  }
.Ltmp8:
0xb1: {  	v4 =	vld [tilespmem:s6+$0xFFFFFFC0];
	[tilespmem:s10+$0xFFFFFFD0] =	vst v2;
	v3 =	vmul.f32 v0, v3;
	(pc) =	sbr.rel @p2 .LBB2_13-.Ltmp8, $4  }
0xb2: {  	v2 =	vld [tilespmem:s6+$0xFFFFFFD0];
	v5 =	vmul.f32 v0, v5;
	[tilespmem:s10+$0xFFFFFFE0] =	vst v1  }
0xb3: {  	v1 =	vld [tilespmem:s6+$0xFFFFFFE0];
	v8 =	vmul.f32 v0, v8;
	[tilespmem:s10+$0xFFFFFFF0] =	vst v3  }
0xb4: {  	v6 =	vmul.f32 v0, v6;
	v3 =	vld [tilespmem:s6+$0xFFFFFFF0];
	[tilespmem:s10+$0xFFFFFF90] =	vst v5;
	s10 =	sadd.s32 $0x100, s10  }
0xb5: {  	v5 =	vld [tilespmem:s6+$0xFFFFFF90];
	v7 =	vmul.f32 v0, v7;
	[tilespmem:s10+$0x0] =	vst v8;
	s6 =	sadd.s32 $0x100, s6  }
0xb6: {  	[tilespmem:s10+$0xFFFFFFA0] =	vst v6;
	v4 =	vmul.f32 v0, v4  }
0xb7: {  	[tilespmem:s10+$0xFFFFFFB0] =	vst v7;
	v2 =	vmul.f32 v0, v2  }
0xb8: {  	[tilespmem:s10+$0xFFFFFFC0] =	vst v4;
	v1 =	vmul.f32 v0, v1  }
0xb9: {  	[tilespmem:s10+$0xFFFFFFD0] =	vst v2;
	v2 =	vmul.f32 v0, v3  }
0xba: {  	v3 =	vmul.f32 v0, v5;
	[tilespmem:s10+$0xFFFFFFE0] =	vst v1  }
.Ltmp9:
0xbb: {  	[tilespmem:s10+$0xFFFFFFF0] =	vst v2;
	(pc) =	sbr.rel @p1 .LBB2_16-.Ltmp9, $4  }
0xbc: {  	[tilespmem:s10+$0xFFFFFF90] =	vst v3  }
0xbd: {  	s4 =	rddreg [dreg:$0xc]  }
0xbe: {  	s6 =	simm.s32 $0x9000;
	s4 =	sadd.s32 s21, s4  }
0xbf: {  	[hbm4b:s4+s30] =	stream.strided.scatter [tilespmem:s6], [sflag:$0xA], $0x1000, s31, s30, $0x38;
	[tilespmem:$0x10000] =	vst v63  }
.Ltmp10:
0xc0: {  	(pc) =	sbr.rel .LBB2_17-.Ltmp10, $4  }
0xc1: {  	_ = 	snop  }
0xc2: {  	_ =	swait.ge [sflag:s0], $0x1000  }
0xc3: {  	[sflag:s0] =	ssyncset.done $0x0  }
0xc4: {  	[sflag:s0] =	ssyncadd.s32 $0xFFFFF000  }
.LBB2_16:
0xc5: {  	s4 =	rddreg [dreg:$0xd]  }
.Ltmp11:
0xc6: {  	s6 =	simm.s32 $0x1000;
	s4 =	sadd.s32 s15, s4;
	(pc) =	sbr.rel @p0 .LBB2_18-.Ltmp11, $4  }
0xc7: {  	[tilespmem:s6], [sflag:$0x2] =	stream.strided.gather [hbm4b:s4+s30], $0x1000, s31, s30, $0x38;
	[tilespmem:$0x10000] =	vst v63  }
0xc8: {  	_ =	swait.ge [sflag:s0], $0x1000  }
0xc9: {  	[sflag:s0] =	ssyncset.done $0x0  }
0xca: {  	[sflag:s0] =	ssyncadd.s32 $0xFFFFF000  }
.LBB2_17:
0xcb: {  	_ =	swait.ge [sflag:s1], $0x1000  }
0xcc: {  	[sflag:s1] =	ssyncset.done $0x0  }
0xcd: {  	[sflag:s1] =	ssyncadd.s32 $0xFFFFF000  }
.LBB2_18:
0xce: {  	s6 =	simm.s32 $0x2040  }
0xcf: {  	v4 =	vld [tilespmem:s6+$0x30]  }
0xd0: {  	v5 =	vld [tilespmem:s6+$0xFFFFFFD0]  }
0xd1: {  	v7 =	vld [tilespmem:s6+$0xFFFFFFE0]  }
0xd2: {  	v3 =	vld [tilespmem:s6+$0xFFFFFFF0]  }
0xd3: {  	v2 =	vld [tilespmem:s6+$0x0]  }
0xd4: {  	v1 =	vld [tilespmem:s6+$0x10];
	v8 =	vmul.f32 v0, v4  }
0xd5: {  	s29 =	simm.s32 $0xA040;
	s4 =	simm.s32 $0x0;
	v4 =	vld [tilespmem:s6+$0x20];
	v6 =	vmul.f32 v0, v5  }
0xd6: {  	s14 =	simm.s32 $0x2140;
	s10 =	simm.s32 $0xA0F0;
	v5 =	vld [tilespmem:s6+$0xFFFFFFC0];
	v7 =	vmul.f32 v0, v7;
	s6 =	simm.s32 $0x20F0;
	[tilespmem:s29+$0x30] =	vst v8  }
.LBB2_19:
0xd7: {  	v8 =	vld [tilespmem:s14+$0x30];
	s4 =	sadd.s32 $0x8, s4;
	[tilespmem:s29+$0xFFFFFFD0] =	vst v6;
	v3 =	vmul.f32 v0, v3  }
0xd8: {  	v6 =	vld [tilespmem:s14+$0xFFFFFFD0];
	p2 =	slt.u32 s4, $0x78;
	[tilespmem:s29+$0xFFFFFFE0] =	vst v7;
	v2 =	vmul.f32 v0, v2  }
0xd9: {  	v7 =	vld [tilespmem:s14+$0xFFFFFFE0];
	[tilespmem:s29+$0xFFFFFFF0] =	vst v3;
	v1 =	vmul.f32 v0, v1  }
.Ltmp12:
0xda: {  	v3 =	vld [tilespmem:s14+$0xFFFFFFF0];
	[tilespmem:s29+$0x0] =	vst v2;
	v4 =	vmul.f32 v0, v4;
	(pc) =	sbr.rel @p2 .LBB2_19-.Ltmp12, $4  }
0xdb: {  	v2 =	vld [tilespmem:s14+$0x0];
	v5 =	vmul.f32 v0, v5;
	[tilespmem:s29+$0x10] =	vst v1  }
0xdc: {  	v1 =	vld [tilespmem:s14+$0x10];
	v8 =	vmul.f32 v0, v8;
	[tilespmem:s29+$0x20] =	vst v4  }
0xdd: {  	v6 =	vmul.f32 v0, v6;
	v4 =	vld [tilespmem:s14+$0x20];
	[tilespmem:s29+$0xFFFFFFC0] =	vst v5;
	s29 =	sadd.s32 $0x100, s29  }
0xde: {  	v5 =	vld [tilespmem:s14+$0xFFFFFFC0];
	v7 =	vmul.f32 v0, v7;
	[tilespmem:s29+$0x30] =	vst v8;
	s14 =	sadd.s32 $0x100, s14  }
0xdf: {  	[tilespmem:s29+$0xFFFFFFD0] =	vst v6;
	v3 =	vmul.f32 v0, v3  }
0xe0: {  	[tilespmem:s29+$0xFFFFFFE0] =	vst v7;
	v2 =	vmul.f32 v0, v2  }
0xe1: {  	[tilespmem:s29+$0xFFFFFFF0] =	vst v3;
	v1 =	vmul.f32 v0, v1  }
0xe2: {  	[tilespmem:s29+$0x0] =	vst v2;
	v2 =	vmul.f32 v0, v4  }
0xe3: {  	v3 =	vmul.f32 v0, v5;
	[tilespmem:s29+$0x10] =	vst v1  }
0xe4: {  	[tilespmem:s29+$0x20] =	vst v2  }
0xe5: {  	[tilespmem:s29+$0xFFFFFFC0] =	vst v3  }
0xe6: {  	v3 =	vld [tilespmem:s6+$0x0]  }
0xe7: {  	v5 =	vld [tilespmem:s6+$0xFFFFFFA0]  }
0xe8: {  	v7 =	vld [tilespmem:s6+$0xFFFFFFB0]  }
0xe9: {  	v4 =	vld [tilespmem:s6+$0xFFFFFFC0]  }
0xea: {  	v2 =	vld [tilespmem:s6+$0xFFFFFFD0]  }
0xeb: {  	v1 =	vld [tilespmem:s6+$0xFFFFFFE0];
	v8 =	vmul.f32 v0, v3  }
0xec: {  	v3 =	vld [tilespmem:s6+$0xFFFFFFF0];
	v6 =	vmul.f32 v0, v5  }
0xed: {  	s4 =	simm.s32 $0x0;
	v5 =	vld [tilespmem:s6+$0xFFFFFF90];
	v7 =	vmul.f32 v0, v7;
	s6 =	simm.s32 $0x21F0;
	[tilespmem:s10+$0x0] =	vst v8  }
.LBB2_21:
0xee: {  	v8 =	vld [tilespmem:s6+$0x0];
	s4 =	sadd.s32 $0x8, s4;
	[tilespmem:s10+$0xFFFFFFA0] =	vst v6;
	v4 =	vmul.f32 v0, v4  }
0xef: {  	v6 =	vld [tilespmem:s6+$0xFFFFFFA0];
	p2 =	slt.u32 s4, $0x78;
	[tilespmem:s10+$0xFFFFFFB0] =	vst v7;
	v2 =	vmul.f32 v0, v2  }
0xf0: {  	v7 =	vld [tilespmem:s6+$0xFFFFFFB0];
	[tilespmem:s10+$0xFFFFFFC0] =	vst v4;
	v1 =	vmul.f32 v0, v1  }
.Ltmp13:
0xf1: {  	v4 =	vld [tilespmem:s6+$0xFFFFFFC0];
	[tilespmem:s10+$0xFFFFFFD0] =	vst v2;
	v3 =	vmul.f32 v0, v3;
	(pc) =	sbr.rel @p2 .LBB2_21-.Ltmp13, $4  }
0xf2: {  	v2 =	vld [tilespmem:s6+$0xFFFFFFD0];
	v5 =	vmul.f32 v0, v5;
	[tilespmem:s10+$0xFFFFFFE0] =	vst v1  }
0xf3: {  	v1 =	vld [tilespmem:s6+$0xFFFFFFE0];
	v8 =	vmul.f32 v0, v8;
	[tilespmem:s10+$0xFFFFFFF0] =	vst v3  }
0xf4: {  	v6 =	vmul.f32 v0, v6;
	v3 =	vld [tilespmem:s6+$0xFFFFFFF0];
	[tilespmem:s10+$0xFFFFFF90] =	vst v5;
	s10 =	sadd.s32 $0x100, s10  }
0xf5: {  	v5 =	vld [tilespmem:s6+$0xFFFFFF90];
	v7 =	vmul.f32 v0, v7;
	[tilespmem:s10+$0x0] =	vst v8;
	s6 =	sadd.s32 $0x100, s6  }
0xf6: {  	[tilespmem:s10+$0xFFFFFFA0] =	vst v6;
	v4 =	vmul.f32 v0, v4  }
0xf7: {  	[tilespmem:s10+$0xFFFFFFB0] =	vst v7;
	v2 =	vmul.f32 v0, v2  }
0xf8: {  	[tilespmem:s10+$0xFFFFFFC0] =	vst v4;
	v1 =	vmul.f32 v0, v1  }
0xf9: {  	[tilespmem:s10+$0xFFFFFFD0] =	vst v2;
	v2 =	vmul.f32 v0, v3  }
0xfa: {  	v3 =	vmul.f32 v0, v5;
	[tilespmem:s10+$0xFFFFFFE0] =	vst v1  }
.Ltmp14:
0xfb: {  	[tilespmem:s10+$0xFFFFFFF0] =	vst v2;
	(pc) =	sbr.rel @p1 .LBB2_24-.Ltmp14, $4  }
0xfc: {  	[tilespmem:s10+$0xFFFFFF90] =	vst v3  }
0xfd: {  	s4 =	rddreg [dreg:$0xe]  }
0xfe: {  	s6 =	simm.s32 $0xA000;
	s4 =	sadd.s32 s21, s4  }
0xff: {  	[hbm4b:s4+s30] =	stream.strided.scatter [tilespmem:s6], [sflag:$0xB], $0x1000, s31, s30, $0x38;
	[tilespmem:$0x10000] =	vst v63  }
.Ltmp15:
0x100: {  	(pc) =	sbr.rel .LBB2_25-.Ltmp15, $4  }
0x101: {  	_ = 	snop  }
0x102: {  	_ =	swait.ge [sflag:s7], $0x1000  }
0x103: {  	[sflag:s7] =	ssyncset.done $0x0  }
0x104: {  	[sflag:s7] =	ssyncadd.s32 $0xFFFFF000  }
.LBB2_24:
0x105: {  	s4 =	rddreg [dreg:$0xf]  }
.Ltmp16:
0x106: {  	s6 =	simm.s32 $0x2000;
	s4 =	sadd.s32 s15, s4;
	(pc) =	sbr.rel @p0 .LBB2_26-.Ltmp16, $4  }
0x107: {  	[tilespmem:s6], [sflag:$0x3] =	stream.strided.gather [hbm4b:s4+s30], $0x1000, s31, s30, $0x38;
	[tilespmem:$0x10000] =	vst v63  }
0x108: {  	_ =	swait.ge [sflag:s7], $0x1000  }
0x109: {  	[sflag:s7] =	ssyncset.done $0x0  }
0x10a: {  	[sflag:s7] =	ssyncadd.s32 $0xFFFFF000  }
.LBB2_25:
0x10b: {  	_ =	swait.ge [sflag:s8], $0x1000  }
0x10c: {  	[sflag:s8] =	ssyncset.done $0x0  }
0x10d: {  	[sflag:s8] =	ssyncadd.s32 $0xFFFFF000  }
.LBB2_26:
0x10e: {  	s6 =	simm.s32 $0x3040  }
0x10f: {  	v4 =	vld [tilespmem:s6+$0x30]  }
0x110: {  	v5 =	vld [tilespmem:s6+$0xFFFFFFD0]  }
0x111: {  	v7 =	vld [tilespmem:s6+$0xFFFFFFE0]  }
0x112: {  	v3 =	vld [tilespmem:s6+$0xFFFFFFF0]  }
0x113: {  	v2 =	vld [tilespmem:s6+$0x0]  }
0x114: {  	v1 =	vld [tilespmem:s6+$0x10];
	v8 =	vmul.f32 v0, v4  }
0x115: {  	s29 =	simm.s32 $0xB040;
	s4 =	simm.s32 $0x0;
	v4 =	vld [tilespmem:s6+$0x20];
	v6 =	vmul.f32 v0, v5  }
0x116: {  	s14 =	simm.s32 $0x3140;
	s10 =	simm.s32 $0xB0F0;
	v5 =	vld [tilespmem:s6+$0xFFFFFFC0];
	v7 =	vmul.f32 v0, v7;
	s6 =	simm.s32 $0x30F0;
	[tilespmem:s29+$0x30] =	vst v8  }
.LBB2_27:
0x117: {  	v8 =	vld [tilespmem:s14+$0x30];
	s4 =	sadd.s32 $0x8, s4;
	[tilespmem:s29+$0xFFFFFFD0] =	vst v6;
	v3 =	vmul.f32 v0, v3  }
0x118: {  	v6 =	vld [tilespmem:s14+$0xFFFFFFD0];
	p2 =	slt.u32 s4, $0x78;
	[tilespmem:s29+$0xFFFFFFE0] =	vst v7;
	v2 =	vmul.f32 v0, v2  }
0x119: {  	v7 =	vld [tilespmem:s14+$0xFFFFFFE0];
	[tilespmem:s29+$0xFFFFFFF0] =	vst v3;
	v1 =	vmul.f32 v0, v1  }
.Ltmp17:
0x11a: {  	v3 =	vld [tilespmem:s14+$0xFFFFFFF0];
	[tilespmem:s29+$0x0] =	vst v2;
	v4 =	vmul.f32 v0, v4;
	(pc) =	sbr.rel @p2 .LBB2_27-.Ltmp17, $4  }
0x11b: {  	v2 =	vld [tilespmem:s14+$0x0];
	v5 =	vmul.f32 v0, v5;
	[tilespmem:s29+$0x10] =	vst v1  }
0x11c: {  	v1 =	vld [tilespmem:s14+$0x10];
	v8 =	vmul.f32 v0, v8;
	[tilespmem:s29+$0x20] =	vst v4  }
0x11d: {  	v6 =	vmul.f32 v0, v6;
	v4 =	vld [tilespmem:s14+$0x20];
	[tilespmem:s29+$0xFFFFFFC0] =	vst v5;
	s29 =	sadd.s32 $0x100, s29  }
0x11e: {  	v5 =	vld [tilespmem:s14+$0xFFFFFFC0];
	v7 =	vmul.f32 v0, v7;
	[tilespmem:s29+$0x30] =	vst v8;
	s14 =	sadd.s32 $0x100, s14  }
0x11f: {  	[tilespmem:s29+$0xFFFFFFD0] =	vst v6;
	v3 =	vmul.f32 v0, v3  }
0x120: {  	[tilespmem:s29+$0xFFFFFFE0] =	vst v7;
	v2 =	vmul.f32 v0, v2  }
0x121: {  	[tilespmem:s29+$0xFFFFFFF0] =	vst v3;
	v1 =	vmul.f32 v0, v1  }
0x122: {  	[tilespmem:s29+$0x0] =	vst v2;
	v2 =	vmul.f32 v0, v4  }
0x123: {  	v3 =	vmul.f32 v0, v5;
	[tilespmem:s29+$0x10] =	vst v1  }
0x124: {  	[tilespmem:s29+$0x20] =	vst v2  }
0x125: {  	[tilespmem:s29+$0xFFFFFFC0] =	vst v3  }
0x126: {  	v3 =	vld [tilespmem:s6+$0x0]  }
0x127: {  	v5 =	vld [tilespmem:s6+$0xFFFFFFA0]  }
0x128: {  	v7 =	vld [tilespmem:s6+$0xFFFFFFB0]  }
0x129: {  	v4 =	vld [tilespmem:s6+$0xFFFFFFC0]  }
0x12a: {  	v2 =	vld [tilespmem:s6+$0xFFFFFFD0]  }
0x12b: {  	v1 =	vld [tilespmem:s6+$0xFFFFFFE0];
	v8 =	vmul.f32 v0, v3  }
0x12c: {  	v3 =	vld [tilespmem:s6+$0xFFFFFFF0];
	v6 =	vmul.f32 v0, v5  }
0x12d: {  	s4 =	simm.s32 $0x0;
	v5 =	vld [tilespmem:s6+$0xFFFFFF90];
	v7 =	vmul.f32 v0, v7;
	s6 =	simm.s32 $0x31F0;
	[tilespmem:s10+$0x0] =	vst v8  }
.LBB2_29:
0x12e: {  	v8 =	vld [tilespmem:s6+$0x0];
	s4 =	sadd.s32 $0x8, s4;
	[tilespmem:s10+$0xFFFFFFA0] =	vst v6;
	v4 =	vmul.f32 v0, v4  }
0x12f: {  	v6 =	vld [tilespmem:s6+$0xFFFFFFA0];
	p2 =	slt.u32 s4, $0x78;
	[tilespmem:s10+$0xFFFFFFB0] =	vst v7;
	v2 =	vmul.f32 v0, v2  }
0x130: {  	v7 =	vld [tilespmem:s6+$0xFFFFFFB0];
	[tilespmem:s10+$0xFFFFFFC0] =	vst v4;
	v1 =	vmul.f32 v0, v1  }
.Ltmp18:
0x131: {  	v4 =	vld [tilespmem:s6+$0xFFFFFFC0];
	[tilespmem:s10+$0xFFFFFFD0] =	vst v2;
	v3 =	vmul.f32 v0, v3;
	(pc) =	sbr.rel @p2 .LBB2_29-.Ltmp18, $4  }
0x132: {  	v2 =	vld [tilespmem:s6+$0xFFFFFFD0];
	v5 =	vmul.f32 v0, v5;
	[tilespmem:s10+$0xFFFFFFE0] =	vst v1  }
0x133: {  	v1 =	vld [tilespmem:s6+$0xFFFFFFE0];
	v8 =	vmul.f32 v0, v8;
	[tilespmem:s10+$0xFFFFFFF0] =	vst v3  }
0x134: {  	v6 =	vmul.f32 v0, v6;
	v3 =	vld [tilespmem:s6+$0xFFFFFFF0];
	[tilespmem:s10+$0xFFFFFF90] =	vst v5;
	s10 =	sadd.s32 $0x100, s10  }
0x135: {  	v5 =	vld [tilespmem:s6+$0xFFFFFF90];
	v7 =	vmul.f32 v0, v7;
	[tilespmem:s10+$0x0] =	vst v8;
	s6 =	sadd.s32 $0x100, s6  }
0x136: {  	[tilespmem:s10+$0xFFFFFFA0] =	vst v6;
	v4 =	vmul.f32 v0, v4  }
0x137: {  	[tilespmem:s10+$0xFFFFFFB0] =	vst v7;
	v2 =	vmul.f32 v0, v2  }
0x138: {  	[tilespmem:s10+$0xFFFFFFC0] =	vst v4;
	v1 =	vmul.f32 v0, v1  }
.Ltmp19:
0x139: {  	[tilespmem:s10+$0xFFFFFFD0] =	vst v2;
	v2 =	vmul.f32 v0, v3;
	(pc) =	sbr.rel @p1 .LBB2_32-.Ltmp19, $4  }
0x13a: {  	v3 =	vmul.f32 v0, v5;
	[tilespmem:s10+$0xFFFFFFE0] =	vst v1  }
0x13b: {  	[tilespmem:s10+$0xFFFFFFF0] =	vst v2  }
0x13c: {  	s4 =	sadd.s32 s21, s18;
	s6 =	simm.s32 $0xB000;
	[tilespmem:s10+$0xFFFFFF90] =	vst v3  }
0x13d: {  	[hbm4b:s4+s30] =	stream.strided.scatter [tilespmem:s6], [sflag:$0xC], $0x1000, s31, s30, $0x38;
	[tilespmem:$0x10000] =	vst v63  }
.Ltmp20:
0x13e: {  	(pc) =	sbr.rel .LBB2_33-.Ltmp20, $4  }
0x13f: {  	_ = 	snop  }
0x140: {  	_ =	swait.ge [sflag:s2], $0x1000  }
0x141: {  	[sflag:s2] =	ssyncset.done $0x0  }
0x142: {  	[sflag:s2] =	ssyncadd.s32 $0xFFFFF000  }
.LBB2_32:
0x143: {  	s4 =	rddreg [dreg:$0x10]  }
.Ltmp21:
0x144: {  	s6 =	simm.s32 $0x3000;
	s4 =	sadd.s32 s15, s4;
	(pc) =	sbr.rel @p0 .LBB2_34-.Ltmp21, $4  }
0x145: {  	[tilespmem:s6], [sflag:$0x4] =	stream.strided.gather [hbm4b:s4+s30], $0x1000, s31, s30, $0x38;
	[tilespmem:$0x10000] =	vst v63  }
0x146: {  	_ =	swait.ge [sflag:s2], $0x1000  }
0x147: {  	[sflag:s2] =	ssyncset.done $0x0  }
0x148: {  	[sflag:s2] =	ssyncadd.s32 $0xFFFFF000  }
.LBB2_33:
0x149: {  	_ =	swait.ge [sflag:s13], $0x1000  }
0x14a: {  	[sflag:s13] =	ssyncset.done $0x0  }
0x14b: {  	[sflag:s13] =	ssyncadd.s32 $0xFFFFF000  }
.LBB2_34:
0x14c: {  	s6 =	simm.s32 $0x4040  }
0x14d: {  	v4 =	vld [tilespmem:s6+$0x30]  }
0x14e: {  	v5 =	vld [tilespmem:s6+$0xFFFFFFD0]  }
0x14f: {  	v7 =	vld [tilespmem:s6+$0xFFFFFFE0]  }
0x150: {  	v3 =	vld [tilespmem:s6+$0xFFFFFFF0]  }
0x151: {  	v2 =	vld [tilespmem:s6+$0x0]  }
0x152: {  	v1 =	vld [tilespmem:s6+$0x10];
	v8 =	vmul.f32 v0, v4  }
0x153: {  	s29 =	simm.s32 $0xC040;
	s4 =	simm.s32 $0x0;
	v4 =	vld [tilespmem:s6+$0x20];
	v6 =	vmul.f32 v0, v5  }
0x154: {  	s14 =	simm.s32 $0x4140;
	s10 =	simm.s32 $0xC0F0;
	v5 =	vld [tilespmem:s6+$0xFFFFFFC0];
	v7 =	vmul.f32 v0, v7;
	s6 =	simm.s32 $0x40F0;
	[tilespmem:s29+$0x30] =	vst v8  }
.LBB2_35:
0x155: {  	v8 =	vld [tilespmem:s14+$0x30];
	s4 =	sadd.s32 $0x8, s4;
	[tilespmem:s29+$0xFFFFFFD0] =	vst v6;
	v3 =	vmul.f32 v0, v3  }
0x156: {  	v6 =	vld [tilespmem:s14+$0xFFFFFFD0];
	p2 =	slt.u32 s4, $0x78;
	[tilespmem:s29+$0xFFFFFFE0] =	vst v7;
	v2 =	vmul.f32 v0, v2  }
0x157: {  	v7 =	vld [tilespmem:s14+$0xFFFFFFE0];
	[tilespmem:s29+$0xFFFFFFF0] =	vst v3;
	v1 =	vmul.f32 v0, v1  }
.Ltmp22:
0x158: {  	v3 =	vld [tilespmem:s14+$0xFFFFFFF0];
	[tilespmem:s29+$0x0] =	vst v2;
	v4 =	vmul.f32 v0, v4;
	(pc) =	sbr.rel @p2 .LBB2_35-.Ltmp22, $4  }
0x159: {  	v2 =	vld [tilespmem:s14+$0x0];
	v5 =	vmul.f32 v0, v5;
	[tilespmem:s29+$0x10] =	vst v1  }
0x15a: {  	v1 =	vld [tilespmem:s14+$0x10];
	v8 =	vmul.f32 v0, v8;
	[tilespmem:s29+$0x20] =	vst v4  }
0x15b: {  	v6 =	vmul.f32 v0, v6;
	v4 =	vld [tilespmem:s14+$0x20];
	[tilespmem:s29+$0xFFFFFFC0] =	vst v5;
	s29 =	sadd.s32 $0x100, s29  }
0x15c: {  	v5 =	vld [tilespmem:s14+$0xFFFFFFC0];
	v7 =	vmul.f32 v0, v7;
	[tilespmem:s29+$0x30] =	vst v8;
	s14 =	sadd.s32 $0x100, s14  }
0x15d: {  	[tilespmem:s29+$0xFFFFFFD0] =	vst v6;
	v3 =	vmul.f32 v0, v3  }
0x15e: {  	[tilespmem:s29+$0xFFFFFFE0] =	vst v7;
	v2 =	vmul.f32 v0, v2  }
0x15f: {  	[tilespmem:s29+$0xFFFFFFF0] =	vst v3;
	v1 =	vmul.f32 v0, v1  }
0x160: {  	[tilespmem:s29+$0x0] =	vst v2;
	v2 =	vmul.f32 v0, v4  }
0x161: {  	v3 =	vmul.f32 v0, v5;
	[tilespmem:s29+$0x10] =	vst v1  }
0x162: {  	[tilespmem:s29+$0x20] =	vst v2  }
0x163: {  	[tilespmem:s29+$0xFFFFFFC0] =	vst v3  }
0x164: {  	v3 =	vld [tilespmem:s6+$0x0]  }
0x165: {  	v5 =	vld [tilespmem:s6+$0xFFFFFFA0]  }
0x166: {  	v7 =	vld [tilespmem:s6+$0xFFFFFFB0]  }
0x167: {  	v4 =	vld [tilespmem:s6+$0xFFFFFFC0]  }
0x168: {  	v2 =	vld [tilespmem:s6+$0xFFFFFFD0]  }
0x169: {  	v1 =	vld [tilespmem:s6+$0xFFFFFFE0];
	v8 =	vmul.f32 v0, v3  }
0x16a: {  	v3 =	vld [tilespmem:s6+$0xFFFFFFF0];
	v6 =	vmul.f32 v0, v5  }
0x16b: {  	s4 =	simm.s32 $0x0;
	v5 =	vld [tilespmem:s6+$0xFFFFFF90];
	v7 =	vmul.f32 v0, v7;
	s6 =	simm.s32 $0x41F0;
	[tilespmem:s10+$0x0] =	vst v8  }
.LBB2_37:
0x16c: {  	v8 =	vld [tilespmem:s6+$0x0];
	s4 =	sadd.s32 $0x8, s4;
	[tilespmem:s10+$0xFFFFFFA0] =	vst v6;
	v4 =	vmul.f32 v0, v4  }
0x16d: {  	v6 =	vld [tilespmem:s6+$0xFFFFFFA0];
	p2 =	slt.u32 s4, $0x78;
	[tilespmem:s10+$0xFFFFFFB0] =	vst v7;
	v2 =	vmul.f32 v0, v2  }
0x16e: {  	v7 =	vld [tilespmem:s6+$0xFFFFFFB0];
	[tilespmem:s10+$0xFFFFFFC0] =	vst v4;
	v1 =	vmul.f32 v0, v1  }
.Ltmp23:
0x16f: {  	v4 =	vld [tilespmem:s6+$0xFFFFFFC0];
	[tilespmem:s10+$0xFFFFFFD0] =	vst v2;
	v3 =	vmul.f32 v0, v3;
	(pc) =	sbr.rel @p2 .LBB2_37-.Ltmp23, $4  }
0x170: {  	v2 =	vld [tilespmem:s6+$0xFFFFFFD0];
	v5 =	vmul.f32 v0, v5;
	[tilespmem:s10+$0xFFFFFFE0] =	vst v1  }
0x171: {  	v1 =	vld [tilespmem:s6+$0xFFFFFFE0];
	v8 =	vmul.f32 v0, v8;
	[tilespmem:s10+$0xFFFFFFF0] =	vst v3  }
0x172: {  	v6 =	vmul.f32 v0, v6;
	v3 =	vld [tilespmem:s6+$0xFFFFFFF0];
	[tilespmem:s10+$0xFFFFFF90] =	vst v5;
	s10 =	sadd.s32 $0x100, s10  }
0x173: {  	v5 =	vld [tilespmem:s6+$0xFFFFFF90];
	v7 =	vmul.f32 v0, v7;
	[tilespmem:s10+$0x0] =	vst v8;
	s6 =	sadd.s32 $0x100, s6  }
0x174: {  	[tilespmem:s10+$0xFFFFFFA0] =	vst v6;
	v4 =	vmul.f32 v0, v4  }
0x175: {  	[tilespmem:s10+$0xFFFFFFB0] =	vst v7;
	v2 =	vmul.f32 v0, v2  }
0x176: {  	[tilespmem:s10+$0xFFFFFFC0] =	vst v4;
	v1 =	vmul.f32 v0, v1  }
.Ltmp24:
0x177: {  	[tilespmem:s10+$0xFFFFFFD0] =	vst v2;
	v2 =	vmul.f32 v0, v3;
	(pc) =	sbr.rel @p1 .LBB2_40-.Ltmp24, $4  }
0x178: {  	v3 =	vmul.f32 v0, v5;
	[tilespmem:s10+$0xFFFFFFE0] =	vst v1  }
0x179: {  	[tilespmem:s10+$0xFFFFFFF0] =	vst v2  }
0x17a: {  	s4 =	sadd.s32 s21, s20;
	s6 =	simm.s32 $0xC000;
	[tilespmem:s10+$0xFFFFFF90] =	vst v3  }
0x17b: {  	[hbm4b:s4+s30] =	stream.strided.scatter [tilespmem:s6], [sflag:$0xD], $0x1000, s31, s30, $0x38;
	[tilespmem:$0x10000] =	vst v63  }
.Ltmp25:
0x17c: {  	(pc) =	sbr.rel .LBB2_41-.Ltmp25, $4  }
0x17d: {  	_ = 	snop  }
0x17e: {  	_ =	swait.ge [sflag:s17], $0x1000  }
0x17f: {  	[sflag:s17] =	ssyncset.done $0x0  }
0x180: {  	[sflag:s17] =	ssyncadd.s32 $0xFFFFF000  }
.LBB2_40:
0x181: {  	s4 =	rddreg [dreg:$0x11]  }
.Ltmp26:
0x182: {  	s6 =	simm.s32 $0x4000;
	s4 =	sadd.s32 s15, s4;
	(pc) =	sbr.rel @p0 .LBB2_42-.Ltmp26, $4  }
0x183: {  	[tilespmem:s6], [sflag:$0x5] =	stream.strided.gather [hbm4b:s4+s30], $0x1000, s31, s30, $0x38;
	[tilespmem:$0x10000] =	vst v63  }
0x184: {  	_ =	swait.ge [sflag:s17], $0x1000  }
0x185: {  	[sflag:s17] =	ssyncset.done $0x0  }
0x186: {  	[sflag:s17] =	ssyncadd.s32 $0xFFFFF000  }
.LBB2_41:
0x187: {  	_ =	swait.ge [sflag:s19], $0x1000  }
0x188: {  	[sflag:s19] =	ssyncset.done $0x0  }
0x189: {  	[sflag:s19] =	ssyncadd.s32 $0xFFFFF000  }
.LBB2_42:
0x18a: {  	s6 =	simm.s32 $0x5040  }
0x18b: {  	v4 =	vld [tilespmem:s6+$0x30]  }
0x18c: {  	v5 =	vld [tilespmem:s6+$0xFFFFFFD0]  }
0x18d: {  	v7 =	vld [tilespmem:s6+$0xFFFFFFE0]  }
0x18e: {  	v3 =	vld [tilespmem:s6+$0xFFFFFFF0]  }
0x18f: {  	v2 =	vld [tilespmem:s6+$0x0]  }
0x190: {  	v1 =	vld [tilespmem:s6+$0x10];
	v8 =	vmul.f32 v0, v4  }
0x191: {  	s29 =	simm.s32 $0xD040;
	s4 =	simm.s32 $0x0;
	v4 =	vld [tilespmem:s6+$0x20];
	v6 =	vmul.f32 v0, v5  }
0x192: {  	s14 =	simm.s32 $0x5140;
	s10 =	simm.s32 $0xD0F0;
	v5 =	vld [tilespmem:s6+$0xFFFFFFC0];
	v7 =	vmul.f32 v0, v7;
	s6 =	simm.s32 $0x50F0;
	[tilespmem:s29+$0x30] =	vst v8  }
.LBB2_43:
0x193: {  	v8 =	vld [tilespmem:s14+$0x30];
	s4 =	sadd.s32 $0x8, s4;
	[tilespmem:s29+$0xFFFFFFD0] =	vst v6;
	v3 =	vmul.f32 v0, v3  }
0x194: {  	v6 =	vld [tilespmem:s14+$0xFFFFFFD0];
	p2 =	slt.u32 s4, $0x78;
	[tilespmem:s29+$0xFFFFFFE0] =	vst v7;
	v2 =	vmul.f32 v0, v2  }
0x195: {  	v7 =	vld [tilespmem:s14+$0xFFFFFFE0];
	[tilespmem:s29+$0xFFFFFFF0] =	vst v3;
	v1 =	vmul.f32 v0, v1  }
.Ltmp27:
0x196: {  	v3 =	vld [tilespmem:s14+$0xFFFFFFF0];
	[tilespmem:s29+$0x0] =	vst v2;
	v4 =	vmul.f32 v0, v4;
	(pc) =	sbr.rel @p2 .LBB2_43-.Ltmp27, $4  }
0x197: {  	v2 =	vld [tilespmem:s14+$0x0];
	v5 =	vmul.f32 v0, v5;
	[tilespmem:s29+$0x10] =	vst v1  }
0x198: {  	v1 =	vld [tilespmem:s14+$0x10];
	v8 =	vmul.f32 v0, v8;
	[tilespmem:s29+$0x20] =	vst v4  }
0x199: {  	v6 =	vmul.f32 v0, v6;
	v4 =	vld [tilespmem:s14+$0x20];
	[tilespmem:s29+$0xFFFFFFC0] =	vst v5;
	s29 =	sadd.s32 $0x100, s29  }
0x19a: {  	v5 =	vld [tilespmem:s14+$0xFFFFFFC0];
	v7 =	vmul.f32 v0, v7;
	[tilespmem:s29+$0x30] =	vst v8;
	s14 =	sadd.s32 $0x100, s14  }
0x19b: {  	[tilespmem:s29+$0xFFFFFFD0] =	vst v6;
	v3 =	vmul.f32 v0, v3  }
0x19c: {  	[tilespmem:s29+$0xFFFFFFE0] =	vst v7;
	v2 =	vmul.f32 v0, v2  }
0x19d: {  	[tilespmem:s29+$0xFFFFFFF0] =	vst v3;
	v1 =	vmul.f32 v0, v1  }
0x19e: {  	[tilespmem:s29+$0x0] =	vst v2;
	v2 =	vmul.f32 v0, v4  }
0x19f: {  	v3 =	vmul.f32 v0, v5;
	[tilespmem:s29+$0x10] =	vst v1  }
0x1a0: {  	[tilespmem:s29+$0x20] =	vst v2  }
0x1a1: {  	[tilespmem:s29+$0xFFFFFFC0] =	vst v3  }
0x1a2: {  	v3 =	vld [tilespmem:s6+$0x0]  }
0x1a3: {  	v5 =	vld [tilespmem:s6+$0xFFFFFFA0]  }
0x1a4: {  	v7 =	vld [tilespmem:s6+$0xFFFFFFB0]  }
0x1a5: {  	v4 =	vld [tilespmem:s6+$0xFFFFFFC0]  }
0x1a6: {  	v2 =	vld [tilespmem:s6+$0xFFFFFFD0]  }
0x1a7: {  	v1 =	vld [tilespmem:s6+$0xFFFFFFE0];
	v8 =	vmul.f32 v0, v3  }
0x1a8: {  	v3 =	vld [tilespmem:s6+$0xFFFFFFF0];
	v6 =	vmul.f32 v0, v5  }
0x1a9: {  	s4 =	simm.s32 $0x0;
	v5 =	vld [tilespmem:s6+$0xFFFFFF90];
	v7 =	vmul.f32 v0, v7;
	s6 =	simm.s32 $0x51F0;
	[tilespmem:s10+$0x0] =	vst v8  }
.LBB2_45:
0x1aa: {  	v8 =	vld [tilespmem:s6+$0x0];
	s4 =	sadd.s32 $0x8, s4;
	[tilespmem:s10+$0xFFFFFFA0] =	vst v6;
	v4 =	vmul.f32 v0, v4  }
0x1ab: {  	v6 =	vld [tilespmem:s6+$0xFFFFFFA0];
	p2 =	slt.u32 s4, $0x78;
	[tilespmem:s10+$0xFFFFFFB0] =	vst v7;
	v2 =	vmul.f32 v0, v2  }
0x1ac: {  	v7 =	vld [tilespmem:s6+$0xFFFFFFB0];
	[tilespmem:s10+$0xFFFFFFC0] =	vst v4;
	v1 =	vmul.f32 v0, v1  }
.Ltmp28:
0x1ad: {  	v4 =	vld [tilespmem:s6+$0xFFFFFFC0];
	[tilespmem:s10+$0xFFFFFFD0] =	vst v2;
	v3 =	vmul.f32 v0, v3;
	(pc) =	sbr.rel @p2 .LBB2_45-.Ltmp28, $4  }
0x1ae: {  	v2 =	vld [tilespmem:s6+$0xFFFFFFD0];
	v5 =	vmul.f32 v0, v5;
	[tilespmem:s10+$0xFFFFFFE0] =	vst v1  }
0x1af: {  	v1 =	vld [tilespmem:s6+$0xFFFFFFE0];
	v8 =	vmul.f32 v0, v8;
	[tilespmem:s10+$0xFFFFFFF0] =	vst v3  }
0x1b0: {  	v6 =	vmul.f32 v0, v6;
	v3 =	vld [tilespmem:s6+$0xFFFFFFF0];
	[tilespmem:s10+$0xFFFFFF90] =	vst v5;
	s10 =	sadd.s32 $0x100, s10  }
0x1b1: {  	v5 =	vld [tilespmem:s6+$0xFFFFFF90];
	v7 =	vmul.f32 v0, v7;
	[tilespmem:s10+$0x0] =	vst v8;
	s6 =	sadd.s32 $0x100, s6  }
0x1b2: {  	[tilespmem:s10+$0xFFFFFFA0] =	vst v6;
	v4 =	vmul.f32 v0, v4  }
0x1b3: {  	[tilespmem:s10+$0xFFFFFFB0] =	vst v7;
	v2 =	vmul.f32 v0, v2  }
0x1b4: {  	[tilespmem:s10+$0xFFFFFFC0] =	vst v4;
	v1 =	vmul.f32 v0, v1  }
.Ltmp29:
0x1b5: {  	[tilespmem:s10+$0xFFFFFFD0] =	vst v2;
	v2 =	vmul.f32 v0, v3;
	(pc) =	sbr.rel @p1 .LBB2_48-.Ltmp29, $4  }
0x1b6: {  	v3 =	vmul.f32 v0, v5;
	[tilespmem:s10+$0xFFFFFFE0] =	vst v1  }
0x1b7: {  	[tilespmem:s10+$0xFFFFFFF0] =	vst v2  }
0x1b8: {  	s4 =	sadd.s32 s21, s22;
	s6 =	simm.s32 $0xD000;
	[tilespmem:s10+$0xFFFFFF90] =	vst v3  }
0x1b9: {  	[hbm4b:s4+s30] =	stream.strided.scatter [tilespmem:s6], [sflag:$0xE], $0x1000, s31, s30, $0x38;
	[tilespmem:$0x10000] =	vst v63  }
.Ltmp30:
0x1ba: {  	(pc) =	sbr.rel .LBB2_49-.Ltmp30, $4  }
0x1bb: {  	_ = 	snop  }
0x1bc: {  	_ =	swait.ge [sflag:s23], $0x1000  }
0x1bd: {  	[sflag:s23] =	ssyncset.done $0x0  }
0x1be: {  	[sflag:s23] =	ssyncadd.s32 $0xFFFFF000  }
.LBB2_48:
0x1bf: {  	s4 =	rddreg [dreg:$0x12]  }
.Ltmp31:
0x1c0: {  	s6 =	simm.s32 $0x5000;
	s4 =	sadd.s32 s15, s4;
	(pc) =	sbr.rel @p0 .LBB2_50-.Ltmp31, $4  }
0x1c1: {  	[tilespmem:s6], [sflag:$0x6] =	stream.strided.gather [hbm4b:s4+s30], $0x1000, s31, s30, $0x38;
	[tilespmem:$0x10000] =	vst v63  }
0x1c2: {  	_ =	swait.ge [sflag:s23], $0x1000  }
0x1c3: {  	[sflag:s23] =	ssyncset.done $0x0  }
0x1c4: {  	[sflag:s23] =	ssyncadd.s32 $0xFFFFF000  }
.LBB2_49:
0x1c5: {  	_ =	swait.ge [sflag:s26], $0x1000  }
0x1c6: {  	[sflag:s26] =	ssyncset.done $0x0  }
0x1c7: {  	[sflag:s26] =	ssyncadd.s32 $0xFFFFF000  }
.LBB2_50:
0x1c8: {  	s6 =	simm.s32 $0x6040  }
0x1c9: {  	v4 =	vld [tilespmem:s6+$0x30]  }
0x1ca: {  	v5 =	vld [tilespmem:s6+$0xFFFFFFD0]  }
0x1cb: {  	v7 =	vld [tilespmem:s6+$0xFFFFFFE0]  }
0x1cc: {  	v3 =	vld [tilespmem:s6+$0xFFFFFFF0]  }
0x1cd: {  	v2 =	vld [tilespmem:s6+$0x0]  }
0x1ce: {  	v1 =	vld [tilespmem:s6+$0x10];
	v8 =	vmul.f32 v0, v4  }
0x1cf: {  	s29 =	simm.s32 $0xE040;
	s4 =	simm.s32 $0x0;
	v4 =	vld [tilespmem:s6+$0x20];
	v6 =	vmul.f32 v0, v5  }
0x1d0: {  	s14 =	simm.s32 $0x6140;
	s10 =	simm.s32 $0xE0F0;
	v5 =	vld [tilespmem:s6+$0xFFFFFFC0];
	v7 =	vmul.f32 v0, v7;
	s6 =	simm.s32 $0x60F0;
	[tilespmem:s29+$0x30] =	vst v8  }
.LBB2_51:
0x1d1: {  	v8 =	vld [tilespmem:s14+$0x30];
	s4 =	sadd.s32 $0x8, s4;
	[tilespmem:s29+$0xFFFFFFD0] =	vst v6;
	v3 =	vmul.f32 v0, v3  }
0x1d2: {  	v6 =	vld [tilespmem:s14+$0xFFFFFFD0];
	p2 =	slt.u32 s4, $0x78;
	[tilespmem:s29+$0xFFFFFFE0] =	vst v7;
	v2 =	vmul.f32 v0, v2  }
0x1d3: {  	v7 =	vld [tilespmem:s14+$0xFFFFFFE0];
	[tilespmem:s29+$0xFFFFFFF0] =	vst v3;
	v1 =	vmul.f32 v0, v1  }
.Ltmp32:
0x1d4: {  	v3 =	vld [tilespmem:s14+$0xFFFFFFF0];
	[tilespmem:s29+$0x0] =	vst v2;
	v4 =	vmul.f32 v0, v4;
	(pc) =	sbr.rel @p2 .LBB2_51-.Ltmp32, $4  }
0x1d5: {  	v2 =	vld [tilespmem:s14+$0x0];
	v5 =	vmul.f32 v0, v5;
	[tilespmem:s29+$0x10] =	vst v1  }
0x1d6: {  	v1 =	vld [tilespmem:s14+$0x10];
	v8 =	vmul.f32 v0, v8;
	[tilespmem:s29+$0x20] =	vst v4  }
0x1d7: {  	v6 =	vmul.f32 v0, v6;
	v4 =	vld [tilespmem:s14+$0x20];
	[tilespmem:s29+$0xFFFFFFC0] =	vst v5;
	s29 =	sadd.s32 $0x100, s29  }
0x1d8: {  	v5 =	vld [tilespmem:s14+$0xFFFFFFC0];
	v7 =	vmul.f32 v0, v7;
	[tilespmem:s29+$0x30] =	vst v8;
	s14 =	sadd.s32 $0x100, s14  }
0x1d9: {  	[tilespmem:s29+$0xFFFFFFD0] =	vst v6;
	v3 =	vmul.f32 v0, v3  }
0x1da: {  	[tilespmem:s29+$0xFFFFFFE0] =	vst v7;
	v2 =	vmul.f32 v0, v2  }
0x1db: {  	[tilespmem:s29+$0xFFFFFFF0] =	vst v3;
	v1 =	vmul.f32 v0, v1  }
0x1dc: {  	[tilespmem:s29+$0x0] =	vst v2;
	v2 =	vmul.f32 v0, v4  }
0x1dd: {  	v3 =	vmul.f32 v0, v5;
	[tilespmem:s29+$0x10] =	vst v1  }
0x1de: {  	[tilespmem:s29+$0x20] =	vst v2  }
0x1df: {  	[tilespmem:s29+$0xFFFFFFC0] =	vst v3  }
0x1e0: {  	v3 =	vld [tilespmem:s6+$0x0]  }
0x1e1: {  	v5 =	vld [tilespmem:s6+$0xFFFFFFA0]  }
0x1e2: {  	v7 =	vld [tilespmem:s6+$0xFFFFFFB0]  }
0x1e3: {  	v4 =	vld [tilespmem:s6+$0xFFFFFFC0]  }
0x1e4: {  	v2 =	vld [tilespmem:s6+$0xFFFFFFD0]  }
0x1e5: {  	v1 =	vld [tilespmem:s6+$0xFFFFFFE0];
	v8 =	vmul.f32 v0, v3  }
0x1e6: {  	v3 =	vld [tilespmem:s6+$0xFFFFFFF0];
	v6 =	vmul.f32 v0, v5  }
0x1e7: {  	s4 =	simm.s32 $0x0;
	v5 =	vld [tilespmem:s6+$0xFFFFFF90];
	v7 =	vmul.f32 v0, v7;
	s6 =	simm.s32 $0x61F0;
	[tilespmem:s10+$0x0] =	vst v8  }
.LBB2_53:
0x1e8: {  	v8 =	vld [tilespmem:s6+$0x0];
	s4 =	sadd.s32 $0x8, s4;
	[tilespmem:s10+$0xFFFFFFA0] =	vst v6;
	v4 =	vmul.f32 v0, v4  }
0x1e9: {  	v6 =	vld [tilespmem:s6+$0xFFFFFFA0];
	p2 =	slt.u32 s4, $0x78;
	[tilespmem:s10+$0xFFFFFFB0] =	vst v7;
	v2 =	vmul.f32 v0, v2  }
0x1ea: {  	v7 =	vld [tilespmem:s6+$0xFFFFFFB0];
	[tilespmem:s10+$0xFFFFFFC0] =	vst v4;
	v1 =	vmul.f32 v0, v1  }
.Ltmp33:
0x1eb: {  	v4 =	vld [tilespmem:s6+$0xFFFFFFC0];
	[tilespmem:s10+$0xFFFFFFD0] =	vst v2;
	v3 =	vmul.f32 v0, v3;
	(pc) =	sbr.rel @p2 .LBB2_53-.Ltmp33, $4  }
0x1ec: {  	v2 =	vld [tilespmem:s6+$0xFFFFFFD0];
	v5 =	vmul.f32 v0, v5;
	[tilespmem:s10+$0xFFFFFFE0] =	vst v1  }
0x1ed: {  	v1 =	vld [tilespmem:s6+$0xFFFFFFE0];
	v8 =	vmul.f32 v0, v8;
	[tilespmem:s10+$0xFFFFFFF0] =	vst v3  }
0x1ee: {  	v6 =	vmul.f32 v0, v6;
	v3 =	vld [tilespmem:s6+$0xFFFFFFF0];
	[tilespmem:s10+$0xFFFFFF90] =	vst v5;
	s10 =	sadd.s32 $0x100, s10  }
0x1ef: {  	v5 =	vld [tilespmem:s6+$0xFFFFFF90];
	v7 =	vmul.f32 v0, v7;
	[tilespmem:s10+$0x0] =	vst v8;
	s6 =	sadd.s32 $0x100, s6  }
0x1f0: {  	[tilespmem:s10+$0xFFFFFFA0] =	vst v6;
	v4 =	vmul.f32 v0, v4  }
0x1f1: {  	[tilespmem:s10+$0xFFFFFFB0] =	vst v7;
	v2 =	vmul.f32 v0, v2  }
0x1f2: {  	[tilespmem:s10+$0xFFFFFFC0] =	vst v4;
	v1 =	vmul.f32 v0, v1  }
.Ltmp34:
0x1f3: {  	[tilespmem:s10+$0xFFFFFFD0] =	vst v2;
	v2 =	vmul.f32 v0, v3;
	(pc) =	sbr.rel @p1 .LBB2_56-.Ltmp34, $4  }
0x1f4: {  	v3 =	vmul.f32 v0, v5;
	[tilespmem:s10+$0xFFFFFFE0] =	vst v1  }
0x1f5: {  	[tilespmem:s10+$0xFFFFFFF0] =	vst v2  }
0x1f6: {  	s4 =	sadd.s32 s21, s24;
	s6 =	simm.s32 $0xE000;
	[tilespmem:s10+$0xFFFFFF90] =	vst v3  }
0x1f7: {  	[hbm4b:s4+s30] =	stream.strided.scatter [tilespmem:s6], [sflag:$0xF], $0x1000, s31, s30, $0x38;
	[tilespmem:$0x10000] =	vst v63  }
.Ltmp35:
0x1f8: {  	(pc) =	sbr.rel .LBB2_57-.Ltmp35, $4  }
0x1f9: {  	_ = 	snop  }
0x1fa: {  	_ =	swait.ge [sflag:s12], $0x1000  }
0x1fb: {  	[sflag:s12] =	ssyncset.done $0x0  }
0x1fc: {  	[sflag:s12] =	ssyncadd.s32 $0xFFFFF000  }
.LBB2_56:
0x1fd: {  	s4 =	rddreg [dreg:$0x14]  }
.Ltmp36:
0x1fe: {  	s6 =	simm.s32 $0x6000;
	s4 =	sadd.s32 s15, s4;
	(pc) =	sbr.rel @p0 .LBB2_58-.Ltmp36, $4  }
0x1ff: {  	[tilespmem:s6], [sflag:$0x7] =	stream.strided.gather [hbm4b:s4+s30], $0x1000, s31, s30, $0x38;
	[tilespmem:$0x10000] =	vst v63  }
0x200: {  	_ =	swait.ge [sflag:s12], $0x1000  }
0x201: {  	[sflag:s12] =	ssyncset.done $0x0  }
0x202: {  	[sflag:s12] =	ssyncadd.s32 $0xFFFFF000  }
.LBB2_57:
0x203: {  	_ =	swait.ge [sflag:s3], $0x1000  }
0x204: {  	[sflag:s3] =	ssyncset.done $0x0  }
0x205: {  	[sflag:s3] =	ssyncadd.s32 $0xFFFFF000  }
.LBB2_58:
0x206: {  	s6 =	simm.s32 $0x7040  }
0x207: {  	v4 =	vld [tilespmem:s6+$0x30]  }
0x208: {  	v5 =	vld [tilespmem:s6+$0xFFFFFFD0]  }
0x209: {  	v7 =	vld [tilespmem:s6+$0xFFFFFFE0]  }
0x20a: {  	v3 =	vld [tilespmem:s6+$0xFFFFFFF0]  }
0x20b: {  	v2 =	vld [tilespmem:s6+$0x0]  }
0x20c: {  	v1 =	vld [tilespmem:s6+$0x10];
	v8 =	vmul.f32 v0, v4  }
0x20d: {  	s29 =	simm.s32 $0xF040;
	s4 =	simm.s32 $0x0;
	v4 =	vld [tilespmem:s6+$0x20];
	v6 =	vmul.f32 v0, v5  }
0x20e: {  	s14 =	simm.s32 $0x7140;
	s10 =	simm.s32 $0xF0F0;
	v5 =	vld [tilespmem:s6+$0xFFFFFFC0];
	v7 =	vmul.f32 v0, v7;
	s6 =	simm.s32 $0x70F0;
	[tilespmem:s29+$0x30] =	vst v8  }
.LBB2_59:
0x20f: {  	v8 =	vld [tilespmem:s14+$0x30];
	s4 =	sadd.s32 $0x8, s4;
	[tilespmem:s29+$0xFFFFFFD0] =	vst v6;
	v3 =	vmul.f32 v0, v3  }
0x210: {  	v6 =	vld [tilespmem:s14+$0xFFFFFFD0];
	p0 =	slt.u32 s4, $0x78;
	[tilespmem:s29+$0xFFFFFFE0] =	vst v7;
	v2 =	vmul.f32 v0, v2  }
0x211: {  	v7 =	vld [tilespmem:s14+$0xFFFFFFE0];
	[tilespmem:s29+$0xFFFFFFF0] =	vst v3;
	v1 =	vmul.f32 v0, v1  }
.Ltmp37:
0x212: {  	v3 =	vld [tilespmem:s14+$0xFFFFFFF0];
	[tilespmem:s29+$0x0] =	vst v2;
	v4 =	vmul.f32 v0, v4;
	(pc) =	sbr.rel @p0 .LBB2_59-.Ltmp37, $4  }
0x213: {  	v2 =	vld [tilespmem:s14+$0x0];
	v5 =	vmul.f32 v0, v5;
	[tilespmem:s29+$0x10] =	vst v1  }
0x214: {  	v1 =	vld [tilespmem:s14+$0x10];
	v8 =	vmul.f32 v0, v8;
	[tilespmem:s29+$0x20] =	vst v4  }
0x215: {  	v6 =	vmul.f32 v0, v6;
	v4 =	vld [tilespmem:s14+$0x20];
	[tilespmem:s29+$0xFFFFFFC0] =	vst v5;
	s29 =	sadd.s32 $0x100, s29  }
0x216: {  	v5 =	vld [tilespmem:s14+$0xFFFFFFC0];
	v7 =	vmul.f32 v0, v7;
	[tilespmem:s29+$0x30] =	vst v8;
	s14 =	sadd.s32 $0x100, s14  }
0x217: {  	[tilespmem:s29+$0xFFFFFFD0] =	vst v6;
	v3 =	vmul.f32 v0, v3  }
0x218: {  	[tilespmem:s29+$0xFFFFFFE0] =	vst v7;
	v2 =	vmul.f32 v0, v2  }
0x219: {  	[tilespmem:s29+$0xFFFFFFF0] =	vst v3;
	v1 =	vmul.f32 v0, v1  }
0x21a: {  	[tilespmem:s29+$0x0] =	vst v2;
	v2 =	vmul.f32 v0, v4  }
0x21b: {  	v3 =	vmul.f32 v0, v5;
	[tilespmem:s29+$0x10] =	vst v1  }
0x21c: {  	[tilespmem:s29+$0x20] =	vst v2  }
0x21d: {  	[tilespmem:s29+$0xFFFFFFC0] =	vst v3  }
0x21e: {  	v3 =	vld [tilespmem:s6+$0x0]  }
0x21f: {  	v5 =	vld [tilespmem:s6+$0xFFFFFFA0]  }
0x220: {  	v7 =	vld [tilespmem:s6+$0xFFFFFFB0]  }
0x221: {  	v4 =	vld [tilespmem:s6+$0xFFFFFFC0]  }
0x222: {  	v2 =	vld [tilespmem:s6+$0xFFFFFFD0]  }
0x223: {  	v1 =	vld [tilespmem:s6+$0xFFFFFFE0];
	v8 =	vmul.f32 v0, v3  }
0x224: {  	v3 =	vld [tilespmem:s6+$0xFFFFFFF0];
	v6 =	vmul.f32 v0, v5  }
0x225: {  	s4 =	simm.s32 $0x0;
	v5 =	vld [tilespmem:s6+$0xFFFFFF90];
	v7 =	vmul.f32 v0, v7;
	s6 =	simm.s32 $0x71F0;
	[tilespmem:s10+$0x0] =	vst v8  }
.LBB2_61:
0x226: {  	v8 =	vld [tilespmem:s6+$0x0];
	s4 =	sadd.s32 $0x8, s4;
	[tilespmem:s10+$0xFFFFFFA0] =	vst v6;
	v4 =	vmul.f32 v0, v4  }
0x227: {  	v6 =	vld [tilespmem:s6+$0xFFFFFFA0];
	p0 =	slt.u32 s4, $0x78;
	[tilespmem:s10+$0xFFFFFFB0] =	vst v7;
	v2 =	vmul.f32 v0, v2  }
0x228: {  	v7 =	vld [tilespmem:s6+$0xFFFFFFB0];
	[tilespmem:s10+$0xFFFFFFC0] =	vst v4;
	v1 =	vmul.f32 v0, v1  }
.Ltmp38:
0x229: {  	v4 =	vld [tilespmem:s6+$0xFFFFFFC0];
	[tilespmem:s10+$0xFFFFFFD0] =	vst v2;
	v3 =	vmul.f32 v0, v3;
	(pc) =	sbr.rel @p0 .LBB2_61-.Ltmp38, $4  }
0x22a: {  	v2 =	vld [tilespmem:s6+$0xFFFFFFD0];
	v5 =	vmul.f32 v0, v5;
	[tilespmem:s10+$0xFFFFFFE0] =	vst v1  }
0x22b: {  	v1 =	vld [tilespmem:s6+$0xFFFFFFE0];
	v8 =	vmul.f32 v0, v8;
	[tilespmem:s10+$0xFFFFFFF0] =	vst v3  }
0x22c: {  	v6 =	vmul.f32 v0, v6;
	v3 =	vld [tilespmem:s6+$0xFFFFFFF0];
	[tilespmem:s10+$0xFFFFFF90] =	vst v5;
	s10 =	sadd.s32 $0x100, s10  }
0x22d: {  	v5 =	vld [tilespmem:s6+$0xFFFFFF90];
	v7 =	vmul.f32 v0, v7;
	[tilespmem:s10+$0x0] =	vst v8;
	s6 =	sadd.s32 $0x100, s6  }
0x22e: {  	[tilespmem:s10+$0xFFFFFFA0] =	vst v6;
	v4 =	vmul.f32 v0, v4  }
0x22f: {  	[tilespmem:s10+$0xFFFFFFB0] =	vst v7;
	v2 =	vmul.f32 v0, v2  }
0x230: {  	p0 =	seq.s32 s9, $0x1F;
	[tilespmem:s10+$0xFFFFFFC0] =	vst v4;
	v1 =	vmul.f32 v0, v1  }
.Ltmp39:
0x231: {  	[tilespmem:s10+$0xFFFFFFD0] =	vst v2;
	v2 =	vmul.f32 v0, v3;
	(pc) =	sbr.rel @p0 .LBB2_64-.Ltmp39, $4  }
0x232: {  	v3 =	vmul.f32 v0, v5;
	[tilespmem:s10+$0xFFFFFFE0] =	vst v1  }
0x233: {  	[tilespmem:s10+$0xFFFFFFF0] =	vst v2  }
0x234: {  	s4 =	sadd.s32 s21, s28;
	s6 =	simm.s32 $0xF000;
	[tilespmem:s10+$0xFFFFFF90] =	vst v3  }
0x235: {  	[hbm4b:s4+s30] =	stream.strided.scatter [tilespmem:s6], [sflag:$0x10], $0x1000, s31, s30, $0x38;
	[tilespmem:$0x10000] =	vst v63  }
.Ltmp40:
0x236: {  	(pc) =	sbr.rel .LBB2_2-.Ltmp40, $4  }
0x237: {  	_ = 	snop  }
0x238: {  	s4 =	rddreg [dreg:$0x15]  }
0x239: {  	s6 =	simm.s32 $0x7000;
	s9 =	sadd.s32 $0x1, s9;
	s4 =	sadd.s32 s15, s4  }
0x23a: {  	[tilespmem:s6], [sflag:$0x8] =	stream.strided.gather [hbm4b:s4+s30], $0x1000, s31, s30, $0x38;
	[tilespmem:$0x10000] =	vst v63  }
.LBB2_65:
0x23b: {  	_ =	sfence.sel $0x180000  }
0x23c: {  	[bflag:$0x0] =	sbarrier.arrive $0xFFFF  }
0x23d: {  	_ =	strace $0x90000047  }
0x23e: {  	s0 =	stileid.u32;
	[bflag:$0x2] =	sbarrier.arrive $0xFFFF  }
0x23f: {  	p0 =	sne.s32 s0, $0x0;
	s0 =	rddreg [dreg:$0x2]  }
0x240: {  	s0 =	sadd.s32 @!p0 $0x100000, s0  }
0x241: {  	[sflag:s0] =	ssyncadd.tile.s32 @!p0 $0x1;
	_ =	shalt  }
.Lfunc_end2:
_tile_overlayer_lowered:
.L_overlay_start_2:
0x242: {  	(tag) =	ssettag $0x2  }
0x243: {  	s0 =	rddreg [dreg:$0x0];
	s2 =	stileid.u32  }
0x244: {  	s1 =	rddreg [dreg:$0x1];
	p0 =	sne.s32 s2, $0x0  }
0x245: {  	s3 =	rddreg [dreg:$0x2];
	[bflag:$0x3] =	sbarrier.arrive $0xFFFF;
	s2 =	simm.s32 @!p0 $0x1C11  }
0x246: {  	[timem:s3], [sflag:s2] =	dma.local @!p0 [hbm:s0], s1  }
0x247: {  	s0 =	simm.s32 @!p0 $0x11  }
0x248: {  	_ =	swait.ge @!p0 [sflag:s0], s1  }
0x249: {  	s1 =	ssub.s32 @!p0 $0x0, s1;
	[sflag:s0] =	ssyncset.done @!p0 $0x0  }
0x24a: {  	[sflag:s0] =	ssyncadd.s32 @!p0 s1  }
0x24b: {  	[bflag:$0x3] =	sbarrier.arrive $0xFFFF  }
0x24c: {  	_ =	shalt  }

</sc_bundles>
